<compile_context>
chip_gen: v7x
topology: tpu7x:2x2x1
jax: 0.10.2.dev20260603
libtpu: 0.0.44.dev20260713+nightly
codegen_flags: <defaults>
</compile_context>

<pallas_src>
import functools

import jax
import jax.numpy as jnp
from jax import lax
from jax.experimental import pallas as pl
from jax.experimental.pallas import tpu as pltpu
from jax.experimental.pallas import tpu_sc as plsc

VOCAB = 1000
DIM = 8
HIDDEN = 128
_TAB = 2 * VOCAB * DIM

_NC = 2
_NS = 16
_NW = _NC * _NS


def _make_gather(batch: int):
    rows_per_w = batch // _NW
    groups = rows_per_w // 16
    prows_w = rows_per_w // 8
    mesh = plsc.VectorSubcoreMesh(core_axis_name="c", subcore_axis_name="s")

    @functools.partial(
        pl.kernel,
        out_type=jax.ShapeDtypeStruct((batch // 8, 16 * DIM), jnp.float32),
        mesh=mesh,
        scratch_types=[
            pltpu.VMEM((_TAB,), jnp.float32),
            pltpu.VMEM((rows_per_w,), jnp.int32),
            pltpu.VMEM((rows_per_w,), jnp.int32),
            pltpu.VMEM((prows_w, 16 * DIM), jnp.float32),
            pltpu.SemaphoreType.DMA,
            pltpu.SemaphoreType.DMA,
            pltpu.SemaphoreType.DMA,
        ],
        compiler_params=pltpu.CompilerParams(needs_layout_passes=False),
    )
    def gather_kernel(tab_hbm, feat_hbm, out_hbm, tab_v, cu_v, co_v, obuf,
                      s0, s1, s2):
        wid = lax.axis_index("s") * _NC + lax.axis_index("c")
        base = wid * rows_per_w
        c0 = pltpu.async_copy(tab_hbm, tab_v, s0)
        c1 = pltpu.async_copy(feat_hbm.at[0, pl.ds(base, rows_per_w)], cu_v,
                              s1)
        c2 = pltpu.async_copy(feat_hbm.at[1, pl.ds(base, rows_per_w)], co_v,
                              s2)
        c1.wait()
        c2.wait()
        c0.wait()

        lane = lax.iota(jnp.int32, 16)
        is_cust = lane < DIM

        def body(g, carry):
            cuv = cu_v[pl.ds(g * 16, 16)] * DIM
            cov = co_v[pl.ds(g * 16, 16)] * DIM + (VOCAB * DIM - DIM)
            for t in range(16):
                addr = lane + jnp.where(is_cust, cuv[t], cov[t])
                v = plsc.load_gather(tab_v, [addr])
                obuf[2 * g + t // 8, pl.ds((t % 8) * 16, 16)] = v
            return carry

        @plsc.parallel_loop(0, groups)
        def _(g):
            body(g, 0)

        pltpu.sync_copy(obuf, out_hbm.at[pl.ds(wid * prows_w, prows_w), :])

    return gather_kernel


def _mlp_body(p_ref, w1_ref, b1_ref, w2_ref, b2_ref, out_ref):
    f32, bf16 = jnp.float32, jnp.bfloat16
    w1t = jnp.concatenate([jnp.concatenate([w1_ref[...]] * 8, axis=1)] * 8,
                          axis=0)
    r1 = lax.broadcasted_iota(jnp.int32, (128, 8 * HIDDEN), 0) // 16
    c1 = lax.broadcasted_iota(jnp.int32, (128, 8 * HIDDEN), 1) // HIDDEN
    bd1 = jnp.where(r1 == c1, w1t, 0.0).astype(bf16)
    b1t = jnp.concatenate([b1_ref[...]] * 8, axis=1)

    h = jnp.dot(p_ref[...].astype(bf16), bd1, preferred_element_type=f32)
    h = jnp.maximum(h + b1t, 0.0)

    w2t = jnp.concatenate([jnp.concatenate([w2_ref[...]] * 8, axis=0)] * 8,
                          axis=1)
    r2 = lax.broadcasted_iota(jnp.int32, (8 * HIDDEN, 8), 0) // HIDDEN
    c2 = lax.broadcasted_iota(jnp.int32, (8 * HIDDEN, 8), 1)
    bd2 = jnp.where(r2 == c2, w2t, 0.0).astype(bf16)

    z = jnp.dot(h.astype(bf16), bd2, preferred_element_type=f32)
    out_ref[...] = 1.0 / (1.0 + jnp.exp(-(z + b2_ref[...])))


def kernel(features, customers_emb, content_emb, W1, b1, W2, b2):
    batch = features.shape[0]
    prows = batch // 8

    tab = jnp.concatenate([customers_emb, content_emb], axis=0).reshape(-1)
    ft = features.T
    packed = _make_gather(batch)(tab, ft)

    zp = pl.pallas_call(
        _mlp_body,
        grid=(2,),
        in_specs=[
            pl.BlockSpec((prows // 2, 16 * DIM), lambda i: (i, 0)),
            pl.BlockSpec((2 * DIM, HIDDEN), lambda i: (0, 0)),
            pl.BlockSpec((1, HIDDEN), lambda i: (0, 0)),
            pl.BlockSpec((HIDDEN, 1), lambda i: (0, 0)),
            pl.BlockSpec((1, 1), lambda i: (0, 0)),
        ],
        out_specs=pl.BlockSpec((prows // 2, 8), lambda i: (i, 0)),
        out_shape=jax.ShapeDtypeStruct((prows, 8), jnp.float32),
    )(packed, W1, b1.reshape(1, HIDDEN), W2, b2.reshape(1, 1))

    return zp.reshape(batch, 1)

# --- scband reference (transcript-rebuilt; emitter-appended) ---
"""Pipeline reference for scband-embedding-net-89902255440589 (READ-ONLY COPY).

The authoritative reference and input builder live on the scoring server;
editing this copy changes nothing except your own understanding.
"""

import jax, jax.numpy as jnp
import numpy as np

VOCAB = 1000
DIM_REGION = 8
HIDDEN = 128
BATCH = 16384


def setup_inputs(seed: int = 0) -> dict:
    key = jax.random.key(seed)
    ks = jax.random.split(key, 7)
    features = jax.random.randint(ks[0], (BATCH, 2), 0, VOCAB, dtype=jnp.int32)
    # Two embedding tables (customers_emb, content_emb), init uniform(-0.01, 0.01)
    customers_emb = jax.random.uniform(ks[1], (VOCAB, DIM_REGION), minval=-0.01, maxval=0.01, dtype=jnp.float32)
    content_emb = jax.random.uniform(ks[2], (VOCAB, DIM_REGION), minval=-0.01, maxval=0.01, dtype=jnp.float32)
    # MLP head: lin1 (16 -> 128), lin2 (128 -> 1)
    W1 = jax.random.normal(ks[3], (2 * DIM_REGION, HIDDEN), dtype=jnp.float32) * (1.0 / np.sqrt(2 * DIM_REGION))
    b1 = jnp.zeros((HIDDEN,), dtype=jnp.float32)
    W2 = jax.random.normal(ks[4], (HIDDEN, 1), dtype=jnp.float32) * (1.0 / np.sqrt(HIDDEN))
    b2 = jnp.zeros((1,), dtype=jnp.float32)
    return {
        "features": features,
        "customers_emb": customers_emb,
        "content_emb": content_emb,
        "W1": W1,
        "b1": b1,
        "W2": W2,
        "b2": b2,
    }


def reference(features, customers_emb, content_emb, W1, b1, W2, b2):
    # forward: split categorical columns, embed, concat, MLP, sigmoid
    customers = features[:, 0]
    content_variants = features[:, 1]
    c = jnp.take(customers_emb, customers, axis=0)   # [B, 8] gather
    v = jnp.take(content_emb, content_variants, axis=0)  # [B, 8] gather
    embeddings = jnp.concatenate([c, v], axis=1)      # [B, 16]
    # dropout layers are identity in eval mode
    h = jax.nn.relu(embeddings @ W1 + b1)             # [B, 128]
    out = jax.nn.sigmoid(h @ W2 + b2)                 # [B, 1]
    return out

if __name__ == "__main__":
    import jax
    _d = setup_inputs()
    print(jax.jit(kernel)(*tuple(_d.values())))

</pallas_src>

<mosaic_0001>
#map = affine_map<(d0, d1) -> (0)>
#map1 = affine_map<(d0, d1) -> (0, 0)>
module attributes {stable_mosaic.version = 14 : i64} {
  func.func @gather_kernel(%arg0: i32, %arg1: i32, %arg2: memref<16000xf32, #tpu.memory_space<hbm>>, %arg3: memref<2x16384xi32, #tpu.memory_space<hbm>>, %arg4: memref<2048x128xf32, #tpu.memory_space<hbm>>, %arg5: memref<16000xf32, #tpu.memory_space<vmem>>, %arg6: memref<512xi32, #tpu.memory_space<vmem>>, %arg7: memref<512xi32, #tpu.memory_space<vmem>>, %arg8: memref<64x128xf32, #tpu.memory_space<vmem>>, %arg9: memref<!tpu.dma_semaphore, #tpu.memory_space<semaphore_mem>>, %arg10: memref<!tpu.dma_semaphore, #tpu.memory_space<semaphore_mem>>, %arg11: memref<!tpu.dma_semaphore, #tpu.memory_space<semaphore_mem>>) attributes {dimension_semantics = [#tpu.dimension_semantics<core_parallel>, #tpu.dimension_semantics<subcore_parallel>], iteration_bounds = array<i64: 2, 16>, scalar_prefetch = 0 : i64, scratch_operands = 7 : i64, tpu.core_type = #tpu.core_type<sc_vector_subcore>, window_params = [{transform_indices = #map}, {transform_indices = #map1}, {transform_indices = #map1}]} {
    %mul3A = arith.constant 2 : i32
    %mul3A_0 = arith.muli %arg1, %mul3A : i32
    %add3A = arith.addi %mul3A_0, %arg0 : i32
    %mul3A_1 = arith.constant 512 : i32
    %mul3A_2 = arith.muli %add3A, %mul3A_1 : i32
    tpu.enqueue_dma source(%arg2 : memref<16000xf32, #tpu.memory_space<hbm>>) target(%arg5 : memref<16000xf32, #tpu.memory_space<vmem>>) target_semaphore(%arg9 : memref<!tpu.dma_semaphore, #tpu.memory_space<semaphore_mem>>)
    %dma_start3A = arith.constant 0 : i32
    %dma_start3A_3 = tpu.memref_slice %arg3[%dma_start3A, %mul3A_2] : memref<2x16384xi32, #tpu.memory_space<hbm>> -> memref<1x512xi32, #tpu.memory_space<hbm>>
    %dma_start3A_4 = tpu.memref_squeeze %dma_start3A_3 : memref<1x512xi32, #tpu.memory_space<hbm>> -> memref<512xi32, #tpu.memory_space<hbm>>
    %dma_start3A_5 = tpu.memref_slice %arg3[%dma_start3A, %mul3A_2] : memref<2x16384xi32, #tpu.memory_space<hbm>> -> memref<1x512xi32, #tpu.memory_space<hbm>>
    %dma_start3A_6 = tpu.memref_squeeze %dma_start3A_5 : memref<1x512xi32, #tpu.memory_space<hbm>> -> memref<512xi32, #tpu.memory_space<hbm>>
    tpu.enqueue_dma source(%dma_start3A_6 : memref<512xi32, #tpu.memory_space<hbm>>) target(%arg6 : memref<512xi32, #tpu.memory_space<vmem>>) target_semaphore(%arg10 : memref<!tpu.dma_semaphore, #tpu.memory_space<semaphore_mem>>)
    %dma_start3A_7 = arith.constant 1 : i32
    %dma_start3A_8 = tpu.memref_slice %arg3[%dma_start3A_7, %mul3A_2] : memref<2x16384xi32, #tpu.memory_space<hbm>> -> memref<1x512xi32, #tpu.memory_space<hbm>>
    %dma_start3A_9 = tpu.memref_squeeze %dma_start3A_8 : memref<1x512xi32, #tpu.memory_space<hbm>> -> memref<512xi32, #tpu.memory_space<hbm>>
    %dma_start3A_10 = tpu.memref_slice %arg3[%dma_start3A_7, %mul3A_2] : memref<2x16384xi32, #tpu.memory_space<hbm>> -> memref<1x512xi32, #tpu.memory_space<hbm>>
    %dma_start3A_11 = tpu.memref_squeeze %dma_start3A_10 : memref<1x512xi32, #tpu.memory_space<hbm>> -> memref<512xi32, #tpu.memory_space<hbm>>
    tpu.enqueue_dma source(%dma_start3A_11 : memref<512xi32, #tpu.memory_space<hbm>>) target(%arg7 : memref<512xi32, #tpu.memory_space<vmem>>) target_semaphore(%arg11 : memref<!tpu.dma_semaphore, #tpu.memory_space<semaphore_mem>>)
    %dma_wait3A = arith.constant 0 : i32
    %dma_wait3A_12 = tpu.memref_slice %arg3[%dma_wait3A, %mul3A_2] : memref<2x16384xi32, #tpu.memory_space<hbm>> -> memref<1x512xi32, #tpu.memory_space<hbm>>
    %dma_wait3A_13 = tpu.memref_squeeze %dma_wait3A_12 : memref<1x512xi32, #tpu.memory_space<hbm>> -> memref<512xi32, #tpu.memory_space<hbm>>
    %dma_wait3A_14 = tpu.memref_slice %arg3[%dma_wait3A, %mul3A_2] : memref<2x16384xi32, #tpu.memory_space<hbm>> -> memref<1x512xi32, #tpu.memory_space<hbm>>
    %dma_wait3A_15 = tpu.memref_squeeze %dma_wait3A_14 : memref<1x512xi32, #tpu.memory_space<hbm>> -> memref<512xi32, #tpu.memory_space<hbm>>
    tpu.wait_dma2 semaphore(%arg10 : memref<!tpu.dma_semaphore, #tpu.memory_space<semaphore_mem>>) src(%dma_wait3A_15 : memref<512xi32, #tpu.memory_space<hbm>>) dst(%arg6 : memref<512xi32, #tpu.memory_space<vmem>>)
    %dma_wait3A_16 = arith.constant 1 : i32
    %dma_wait3A_17 = tpu.memref_slice %arg3[%dma_wait3A_16, %mul3A_2] : memref<2x16384xi32, #tpu.memory_space<hbm>> -> memref<1x512xi32, #tpu.memory_space<hbm>>
    %dma_wait3A_18 = tpu.memref_squeeze %dma_wait3A_17 : memref<1x512xi32, #tpu.memory_space<hbm>> -> memref<512xi32, #tpu.memory_space<hbm>>
    %dma_wait3A_19 = tpu.memref_slice %arg3[%dma_wait3A_16, %mul3A_2] : memref<2x16384xi32, #tpu.memory_space<hbm>> -> memref<1x512xi32, #tpu.memory_space<hbm>>
    %dma_wait3A_20 = tpu.memref_squeeze %dma_wait3A_19 : memref<1x512xi32, #tpu.memory_space<hbm>> -> memref<512xi32, #tpu.memory_space<hbm>>
    tpu.wait_dma2 semaphore(%arg11 : memref<!tpu.dma_semaphore, #tpu.memory_space<semaphore_mem>>) src(%dma_wait3A_20 : memref<512xi32, #tpu.memory_space<hbm>>) dst(%arg7 : memref<512xi32, #tpu.memory_space<vmem>>)
    tpu.wait_dma2 semaphore(%arg9 : memref<!tpu.dma_semaphore, #tpu.memory_space<semaphore_mem>>) src(%arg2 : memref<16000xf32, #tpu.memory_space<hbm>>) dst(%arg5 : memref<16000xf32, #tpu.memory_space<vmem>>)
    %iota3A = tpu.iota {dimensions = array<i32: 0>} : vector<16xi32>
    %lt3A = arith.constant 8 : i32
    %lt3A_21 = vector.broadcast %lt3A : i32 to vector<16xi32>
    %lt3A_22 = arith.cmpi slt, %iota3A, %lt3A_21 : vector<16xi32>
    %parallel_loop3A = arith.constant 0 : i32
    %parallel_loop3A_23 = arith.constant 32 : i32
    %parallel_loop3A_24 = arith.constant 1 : i32
    scf.for %parallel_loop3A_27 = %parallel_loop3A to %parallel_loop3A_23 step %parallel_loop3A_24  : i32 {
      %parallel_loop3A_28 = arith.constant 16 : i32
      %parallel_loop3A_29 = arith.muli %parallel_loop3A_27, %parallel_loop3A_28 : i32
      %parallel_loop3A_30 = arith.index_cast %parallel_loop3A_29 : i32 to index
      %parallel_loop3A_31 = tpu.vector_load %arg6[%parallel_loop3A_30] {strides = array<i32>} : memref<512xi32, #tpu.memory_space<vmem>>, vector<16xi32>,
      %parallel_loop3A_32 = arith.constant 8 : i32
      %parallel_loop3A_33 = vector.broadcast %parallel_loop3A_32 : i32 to vector<16xi32>
      %parallel_loop3A_34 = arith.muli %parallel_loop3A_31, %parallel_loop3A_33 : vector<16xi32>
      %parallel_loop3A_35 = arith.constant 16 : i32
      %parallel_loop3A_36 = arith.muli %parallel_loop3A_27, %parallel_loop3A_35 : i32
      %parallel_loop3A_37 = arith.index_cast %parallel_loop3A_36 : i32 to index
      %parallel_loop3A_38 = tpu.vector_load %arg7[%parallel_loop3A_37] {strides = array<i32>} : memref<512xi32, #tpu.memory_space<vmem>>, vector<16xi32>,
      %parallel_loop3A_39 = arith.constant 8 : i32
      %parallel_loop3A_40 = vector.broadcast %parallel_loop3A_39 : i32 to vector<16xi32>
      %parallel_loop3A_41 = arith.muli %parallel_loop3A_38, %parallel_loop3A_40 : vector<16xi32>
      %parallel_loop3A_42 = arith.constant 7992 : i32
      %parallel_loop3A_43 = vector.broadcast %parallel_loop3A_42 : i32 to vector<16xi32>
      %parallel_loop3A_44 = arith.addi %parallel_loop3A_41, %parallel_loop3A_43 : vector<16xi32>
      %parallel_loop3A_45 = vector.extract_strided_slice %parallel_loop3A_34 {offsets = [0], sizes = [1], strides = [1]} : vector<16xi32> to vector<1xi32>
      %parallel_loop3A_46 = vector.extract %parallel_loop3A_45[0] : i32 from vector<1xi32>
      %parallel_loop3A_47 = vector.extract_strided_slice %parallel_loop3A_44 {offsets = [0], sizes = [1], strides = [1]} : vector<16xi32> to vector<1xi32>
      %parallel_loop3A_48 = vector.extract %parallel_loop3A_47[0] : i32 from vector<1xi32>
      %parallel_loop3A_49 = vector.broadcast %parallel_loop3A_46 : i32 to vector<16xi32>
      %parallel_loop3A_50 = vector.broadcast %parallel_loop3A_48 : i32 to vector<16xi32>
      %parallel_loop3A_51 = arith.select %lt3A_22, %parallel_loop3A_49, %parallel_loop3A_50 : vector<16xi1>, vector<16xi32>
      %parallel_loop3A_52 = arith.addi %iota3A, %parallel_loop3A_51 : vector<16xi32>
      %parallel_loop3A_53 = tpu.vector_load_idx %arg5[%parallel_loop3A_52] : memref<16000xf32, #tpu.memory_space<vmem>>[vector<16xi32>], vector<16xf32>,
      %parallel_loop3A_54 = arith.constant 2 : i32
      %parallel_loop3A_55 = arith.muli %parallel_loop3A_54, %parallel_loop3A_27 : i32
      %parallel_loop3A_56 = arith.constant 0 : i32
      %parallel_loop3A_57 = arith.addi %parallel_loop3A_55, %parallel_loop3A_56 : i32
      %parallel_loop3A_58 = arith.index_cast %parallel_loop3A_57 : i32 to index
      %parallel_loop3A_59 = arith.constant 0 : index
      %parallel_loop3A_60 = tpu.vector_load %arg8[%parallel_loop3A_58, %parallel_loop3A_59] {strides = array<i32>} : memref<64x128xf32, #tpu.memory_space<vmem>>, vector<16xf32>,
      tpu.vector_store %arg8[%parallel_loop3A_58, %parallel_loop3A_59], %parallel_loop3A_53 {strides = array<i32>} : memref<64x128xf32, #tpu.memory_space<vmem>>, vector<16xf32>,
      %parallel_loop3A_61 = vector.extract_strided_slice %parallel_loop3A_34 {offsets = [1], sizes = [1], strides = [1]} : vector<16xi32> to vector<1xi32>
      %parallel_loop3A_62 = vector.extract %parallel_loop3A_61[0] : i32 from vector<1xi32>
      %parallel_loop3A_63 = vector.extract_strided_slice %parallel_loop3A_44 {offsets = [1], sizes = [1], strides = [1]} : vector<16xi32> to vector<1xi32>
      %parallel_loop3A_64 = vector.extract %parallel_loop3A_63[0] : i32 from vector<1xi32>
      %parallel_loop3A_65 = vector.broadcast %parallel_loop3A_62 : i32 to vector<16xi32>
      %parallel_loop3A_66 = vector.broadcast %parallel_loop3A_64 : i32 to vector<16xi32>
      %parallel_loop3A_67 = arith.select %lt3A_22, %parallel_loop3A_65, %parallel_loop3A_66 : vector<16xi1>, vector<16xi32>
      %parallel_loop3A_68 = arith.addi %iota3A, %parallel_loop3A_67 : vector<16xi32>
      %parallel_loop3A_69 = tpu.vector_load_idx %arg5[%parallel_loop3A_68] : memref<16000xf32, #tpu.memory_space<vmem>>[vector<16xi32>], vector<16xf32>,
      %parallel_loop3A_70 = arith.constant 2 : i32
      %parallel_loop3A_71 = arith.muli %parallel_loop3A_70, %parallel_loop3A_27 : i32
      %parallel_loop3A_72 = arith.constant 0 : i32
      %parallel_loop3A_73 = arith.addi %parallel_loop3A_71, %parallel_loop3A_72 : i32
      %parallel_loop3A_74 = arith.index_cast %parallel_loop3A_73 : i32 to index
      %parallel_loop3A_75 = arith.constant 16 : index
      %parallel_loop3A_76 = tpu.vector_load %arg8[%parallel_loop3A_74, %parallel_loop3A_75] {strides = array<i32>} : memref<64x128xf32, #tpu.memory_space<vmem>>, vector<16xf32>,
      tpu.vector_store %arg8[%parallel_loop3A_74, %parallel_loop3A_75], %parallel_loop3A_69 {strides = array<i32>} : memref<64x128xf32, #tpu.memory_space<vmem>>, vector<16xf32>,
      %parallel_loop3A_77 = vector.extract_strided_slice %parallel_loop3A_34 {offsets = [2], sizes = [1], strides = [1]} : vector<16xi32> to vector<1xi32>
      %parallel_loop3A_78 = vector.extract %parallel_loop3A_77[0] : i32 from vector<1xi32>
      %parallel_loop3A_79 = vector.extract_strided_slice %parallel_loop3A_44 {offsets = [2], sizes = [1], strides = [1]} : vector<16xi32> to vector<1xi32>
      %parallel_loop3A_80 = vector.extract %parallel_loop3A_79[0] : i32 from vector<1xi32>
      %parallel_loop3A_81 = vector.broadcast %parallel_loop3A_78 : i32 to vector<16xi32>
      %parallel_loop3A_82 = vector.broadcast %parallel_loop3A_80 : i32 to vector<16xi32>
      %parallel_loop3A_83 = arith.select %lt3A_22, %parallel_loop3A_81, %parallel_loop3A_82 : vector<16xi1>, vector<16xi32>
      %parallel_loop3A_84 = arith.addi %iota3A, %parallel_loop3A_83 : vector<16xi32>
      %parallel_loop3A_85 = tpu.vector_load_idx %arg5[%parallel_loop3A_84] : memref<16000xf32, #tpu.memory_space<vmem>>[vector<16xi32>], vector<16xf32>,
      %parallel_loop3A_86 = arith.constant 2 : i32
      %parallel_loop3A_87 = arith.muli %parallel_loop3A_86, %parallel_loop3A_27 : i32
      %parallel_loop3A_88 = arith.constant 0 : i32
      %parallel_loop3A_89 = arith.addi %parallel_loop3A_87, %parallel_loop3A_88 : i32
      %parallel_loop3A_90 = arith.index_cast %parallel_loop3A_89 : i32 to index
      %parallel_loop3A_91 = arith.constant 32 : index
      %parallel_loop3A_92 = tpu.vector_load %arg8[%parallel_loop3A_90, %parallel_loop3A_91] {strides = array<i32>} : memref<64x128xf32, #tpu.memory_space<vmem>>, vector<16xf32>,
      tpu.vector_store %arg8[%parallel_loop3A_90, %parallel_loop3A_91], %parallel_loop3A_85 {strides = array<i32>} : memref<64x128xf32, #tpu.memory_space<vmem>>, vector<16xf32>,
      %parallel_loop3A_93 = vector.extract_strided_slice %parallel_loop3A_34 {offsets = [3], sizes = [1], strides = [1]} : vector<16xi32> to vector<1xi32>
      %parallel_loop3A_94 = vector.extract %parallel_loop3A_93[0] : i32 from vector<1xi32>
      %parallel_loop3A_95 = vector.extract_strided_slice %parallel_loop3A_44 {offsets = [3], sizes = [1], strides = [1]} : vector<16xi32> to vector<1xi32>
      %parallel_loop3A_96 = vector.extract %parallel_loop3A_95[0] : i32 from vector<1xi32>
      %parallel_loop3A_97 = vector.broadcast %parallel_loop3A_94 : i32 to vector<16xi32>
      %parallel_loop3A_98 = vector.broadcast %parallel_loop3A_96 : i32 to vector<16xi32>
      %parallel_loop3A_99 = arith.select %lt3A_22, %parallel_loop3A_97, %parallel_loop3A_98 : vector<16xi1>, vector<16xi32>
      %parallel_loop3A_100 = arith.addi %iota3A, %parallel_loop3A_99 : vector<16xi32>
      %parallel_loop3A_101 = tpu.vector_load_idx %arg5[%parallel_loop3A_100] : memref<16000xf32, #tpu.memory_space<vmem>>[vector<16xi32>], vector<16xf32>,
      %parallel_loop3A_102 = arith.constant 2 : i32
      %parallel_loop3A_103 = arith.muli %parallel_loop3A_102, %parallel_loop3A_27 : i32
      %parallel_loop3A_104 = arith.constant 0 : i32
      %parallel_loop3A_105 = arith.addi %parallel_loop3A_103, %parallel_loop3A_104 : i32
      %parallel_loop3A_106 = arith.index_cast %parallel_loop3A_105 : i32 to index
      %parallel_loop3A_107 = arith.constant 48 : index
      %parallel_loop3A_108 = tpu.vector_load %arg8[%parallel_loop3A_106, %parallel_loop3A_107] {strides = array<i32>} : memref<64x128xf32, #tpu.memory_space<vmem>>, vector<16xf32>,
      tpu.vector_store %arg8[%parallel_loop3A_106, %parallel_loop3A_107], %parallel_loop3A_101 {strides = array<i32>} : memref<64x128xf32, #tpu.memory_space<vmem>>, vector<16xf32>,
      %parallel_loop3A_109 = vector.extract_strided_slice %parallel_loop3A_34 {offsets = [4], sizes = [1], strides = [1]} : vector<16xi32> to vector<1xi32>
      %parallel_loop3A_110 = vector.extract %parallel_loop3A_109[0] : i32 from vector<1xi32>
      %parallel_loop3A_111 = vector.extract_strided_slice %parallel_loop3A_44 {offsets = [4], sizes = [1], strides = [1]} : vector<16xi32> to vector<1xi32>
      %parallel_loop3A_112 = vector.extract %parallel_loop3A_111[0] : i32 from vector<1xi32>
      %parallel_loop3A_113 = vector.broadcast %parallel_loop3A_110 : i32 to vector<16xi32>
      %parallel_loop3A_114 = vector.broadcast %parallel_loop3A_112 : i32 to vector<16xi32>
      %parallel_loop3A_115 = arith.select %lt3A_22, %parallel_loop3A_113, %parallel_loop3A_114 : vector<16xi1>, vector<16xi32>
      %parallel_loop3A_116 = arith.addi %iota3A, %parallel_loop3A_115 : vector<16xi32>
      %parallel_loop3A_117 = tpu.vector_load_idx %arg5[%parallel_loop3A_116] : memref<16000xf32, #tpu.memory_space<vmem>>[vector<16xi32>], vector<16xf32>,
      %parallel_loop3A_118 = arith.constant 2 : i32
      %parallel_loop3A_119 = arith.muli %parallel_loop3A_118, %parallel_loop3A_27 : i32
      %parallel_loop3A_120 = arith.constant 0 : i32
      %parallel_loop3A_121 = arith.addi %parallel_loop3A_119, %parallel_loop3A_120 : i32
      %parallel_loop3A_122 = arith.index_cast %parallel_loop3A_121 : i32 to index
      %parallel_loop3A_123 = arith.constant 64 : index
      %parallel_loop3A_124 = tpu.vector_load %arg8[%parallel_loop3A_122, %parallel_loop3A_123] {strides = array<i32>} : memref<64x128xf32, #tpu.memory_space<vmem>>, vector<16xf32>,
      tpu.vector_store %arg8[%parallel_loop3A_122, %parallel_loop3A_123], %parallel_loop3A_117 {strides = array<i32>} : memref<64x128xf32, #tpu.memory_space<vmem>>, vector<16xf32>,
      %parallel_loop3A_125 = vector.extract_strided_slice %parallel_loop3A_34 {offsets = [5], sizes = [1], strides = [1]} : vector<16xi32> to vector<1xi32>
      %parallel_loop3A_126 = vector.extract %parallel_loop3A_125[0] : i32 from vector<1xi32>
      %parallel_loop3A_127 = vector.extract_strided_slice %parallel_loop3A_44 {offsets = [5], sizes = [1], strides = [1]} : vector<16xi32> to vector<1xi32>
      %parallel_loop3A_128 = vector.extract %parallel_loop3A_127[0] : i32 from vector<1xi32>
      %parallel_loop3A_129 = vector.broadcast %parallel_loop3A_126 : i32 to vector<16xi32>
      %parallel_loop3A_130 = vector.broadcast %parallel_loop3A_128 : i32 to vector<16xi32>
      %parallel_loop3A_131 = arith.select %lt3A_22, %parallel_loop3A_129, %parallel_loop3A_130 : vector<16xi1>, vector<16xi32>
      %parallel_loop3A_132 = arith.addi %iota3A, %parallel_loop3A_131 : vector<16xi32>
      %parallel_loop3A_133 = tpu.vector_load_idx %arg5[%parallel_loop3A_132] : memref<16000xf32, #tpu.memory_space<vmem>>[vector<16xi32>], vector<16xf32>,
      %parallel_loop3A_134 = arith.constant 2 : i32
      %parallel_loop3A_135 = arith.muli %parallel_loop3A_134, %parallel_loop3A_27 : i32
      %parallel_loop3A_136 = arith.constant 0 : i32
      %parallel_loop3A_137 = arith.addi %parallel_loop3A_135, %parallel_loop3A_136 : i32
      %parallel_loop3A_138 = arith.index_cast %parallel_loop3A_137 : i32 to index
      %parallel_loop3A_139 = arith.constant 80 : index
      %parallel_loop3A_140 = tpu.vector_load %arg8[%parallel_loop3A_138, %parallel_loop3A_139] {strides = array<i32>} : memref<64x128xf32, #tpu.memory_space<vmem>>, vector<16xf32>,
      tpu.vector_store %arg8[%parallel_loop3A_138, %parallel_loop3A_139], %parallel_loop3A_133 {strides = array<i32>} : memref<64x128xf32, #tpu.memory_space<vmem>>, vector<16xf32>,
      %parallel_loop3A_141 = vector.extract_strided_slice %parallel_loop3A_34 {offsets = [6], sizes = [1], strides = [1]} : vector<16xi32> to vector<1xi32>
      %parallel_loop3A_142 = vector.extract %parallel_loop3A_141[0] : i32 from vector<1xi32>
      %parallel_loop3A_143 = vector.extract_strided_slice %parallel_loop3A_44 {offsets = [6], sizes = [1], strides = [1]} : vector<16xi32> to vector<1xi32>
      %parallel_loop3A_144 = vector.extract %parallel_loop3A_143[0] : i32 from vector<1xi32>
      %parallel_loop3A_145 = vector.broadcast %parallel_loop3A_142 : i32 to vector<16xi32>
      %parallel_loop3A_146 = vector.broadcast %parallel_loop3A_144 : i32 to vector<16xi32>
      %parallel_loop3A_147 = arith.select %lt3A_22, %parallel_loop3A_145, %parallel_loop3A_146 : vector<16xi1>, vector<16xi32>
      %parallel_loop3A_148 = arith.addi %iota3A, %parallel_loop3A_147 : vector<16xi32>
      %parallel_loop3A_149 = tpu.vector_load_idx %arg5[%parallel_loop3A_148] : memref<16000xf32, #tpu.memory_space<vmem>>[vector<16xi32>], vector<16xf32>,
      %parallel_loop3A_150 = arith.constant 2 : i32
      %parallel_loop3A_151 = arith.muli %parallel_loop3A_150, %parallel_loop3A_27 : i32
      %parallel_loop3A_152 = arith.constant 0 : i32
      %parallel_loop3A_153 = arith.addi %parallel_loop3A_151, %parallel_loop3A_152 : i32
      %parallel_loop3A_154 = arith.index_cast %parallel_loop3A_153 : i32 to index
      %parallel_loop3A_155 = arith.constant 96 : index
      %parallel_loop3A_156 = tpu.vector_load %arg8[%parallel_loop3A_154, %parallel_loop3A_155] {strides = array<i32>} : memref<64x128xf32, #tpu.memory_space<vmem>>, vector<16xf32>,
      tpu.vector_store %arg8[%parallel_loop3A_154, %parallel_loop3A_155], %parallel_loop3A_149 {strides = array<i32>} : memref<64x128xf32, #tpu.memory_space<vmem>>, vector<16xf32>,
      %parallel_loop3A_157 = vector.extract_strided_slice %parallel_loop3A_34 {offsets = [7], sizes = [1], strides = [1]} : vector<16xi32> to vector<1xi32>
      %parallel_loop3A_158 = vector.extract %parallel_loop3A_157[0] : i32 from vector<1xi32>
      %parallel_loop3A_159 = vector.extract_strided_slice %parallel_loop3A_44 {offsets = [7], sizes = [1], strides = [1]} : vector<16xi32> to vector<1xi32>
      %parallel_loop3A_160 = vector.extract %parallel_loop3A_159[0] : i32 from vector<1xi32>
      %parallel_loop3A_161 = vector.broadcast %parallel_loop3A_158 : i32 to vector<16xi32>
      %parallel_loop3A_162 = vector.broadcast %parallel_loop3A_160 : i32 to vector<16xi32>
      %parallel_loop3A_163 = arith.select %lt3A_22, %parallel_loop3A_161, %parallel_loop3A_162 : vector<16xi1>, vector<16xi32>
      %parallel_loop3A_164 = arith.addi %iota3A, %parallel_loop3A_163 : vector<16xi32>
      %parallel_loop3A_165 = tpu.vector_load_idx %arg5[%parallel_loop3A_164] : memref<16000xf32, #tpu.memory_space<vmem>>[vector<16xi32>], vector<16xf32>,
      %parallel_loop3A_166 = arith.constant 2 : i32
      %parallel_loop3A_167 = arith.muli %parallel_loop3A_166, %parallel_loop3A_27 : i32
      %parallel_loop3A_168 = arith.constant 0 : i32
      %parallel_loop3A_169 = arith.addi %parallel_loop3A_167, %parallel_loop3A_168 : i32
      %parallel_loop3A_170 = arith.index_cast %parallel_loop3A_169 : i32 to index
      %parallel_loop3A_171 = arith.constant 112 : index
      %parallel_loop3A_172 = tpu.vector_load %arg8[%parallel_loop3A_170, %parallel_loop3A_171] {strides = array<i32>} : memref<64x128xf32, #tpu.memory_space<vmem>>, vector<16xf32>,
      tpu.vector_store %arg8[%parallel_loop3A_170, %parallel_loop3A_171], %parallel_loop3A_165 {strides = array<i32>} : memref<64x128xf32, #tpu.memory_space<vmem>>, vector<16xf32>,
      %parallel_loop3A_173 = vector.extract_strided_slice %parallel_loop3A_34 {offsets = [8], sizes = [1], strides = [1]} : vector<16xi32> to vector<1xi32>
      %parallel_loop3A_174 = vector.extract %parallel_loop3A_173[0] : i32 from vector<1xi32>
      %parallel_loop3A_175 = vector.extract_strided_slice %parallel_loop3A_44 {offsets = [8], sizes = [1], strides = [1]} : vector<16xi32> to vector<1xi32>
      %parallel_loop3A_176 = vector.extract %parallel_loop3A_175[0] : i32 from vector<1xi32>
      %parallel_loop3A_177 = vector.broadcast %parallel_loop3A_174 : i32 to vector<16xi32>
      %parallel_loop3A_178 = vector.broadcast %parallel_loop3A_176 : i32 to vector<16xi32>
      %parallel_loop3A_179 = arith.select %lt3A_22, %parallel_loop3A_177, %parallel_loop3A_178 : vector<16xi1>, vector<16xi32>
      %parallel_loop3A_180 = arith.addi %iota3A, %parallel_loop3A_179 : vector<16xi32>
      %parallel_loop3A_181 = tpu.vector_load_idx %arg5[%parallel_loop3A_180] : memref<16000xf32, #tpu.memory_space<vmem>>[vector<16xi32>], vector<16xf32>,
      %parallel_loop3A_182 = arith.constant 2 : i32
      %parallel_loop3A_183 = arith.muli %parallel_loop3A_182, %parallel_loop3A_27 : i32
      %parallel_loop3A_184 = arith.constant 1 : i32
      %parallel_loop3A_185 = arith.addi %parallel_loop3A_183, %parallel_loop3A_184 : i32
      %parallel_loop3A_186 = arith.index_cast %parallel_loop3A_185 : i32 to index
      %parallel_loop3A_187 = arith.constant 0 : index
      %parallel_loop3A_188 = tpu.vector_load %arg8[%parallel_loop3A_186, %parallel_loop3A_187] {strides = array<i32>} : memref<64x128xf32, #tpu.memory_space<vmem>>, vector<16xf32>,
      tpu.vector_store %arg8[%parallel_loop3A_186, %parallel_loop3A_187], %parallel_loop3A_181 {strides = array<i32>} : memref<64x128xf32, #tpu.memory_space<vmem>>, vector<16xf32>,
      %parallel_loop3A_189 = vector.extract_strided_slice %parallel_loop3A_34 {offsets = [9], sizes = [1], strides = [1]} : vector<16xi32> to vector<1xi32>
      %parallel_loop3A_190 = vector.extract %parallel_loop3A_189[0] : i32 from vector<1xi32>
      %parallel_loop3A_191 = vector.extract_strided_slice %parallel_loop3A_44 {offsets = [9], sizes = [1], strides = [1]} : vector<16xi32> to vector<1xi32>
      %parallel_loop3A_192 = vector.extract %parallel_loop3A_191[0] : i32 from vector<1xi32>
      %parallel_loop3A_193 = vector.broadcast %parallel_loop3A_190 : i32 to vector<16xi32>
      %parallel_loop3A_194 = vector.broadcast %parallel_loop3A_192 : i32 to vector<16xi32>
      %parallel_loop3A_195 = arith.select %lt3A_22, %parallel_loop3A_193, %parallel_loop3A_194 : vector<16xi1>, vector<16xi32>
      %parallel_loop3A_196 = arith.addi %iota3A, %parallel_loop3A_195 : vector<16xi32>
      %parallel_loop3A_197 = tpu.vector_load_idx %arg5[%parallel_loop3A_196] : memref<16000xf32, #tpu.memory_space<vmem>>[vector<16xi32>], vector<16xf32>,
      %parallel_loop3A_198 = arith.constant 2 : i32
      %parallel_loop3A_199 = arith.muli %parallel_loop3A_198, %parallel_loop3A_27 : i32
      %parallel_loop3A_200 = arith.constant 1 : i32
      %parallel_loop3A_201 = arith.addi %parallel_loop3A_199, %parallel_loop3A_200 : i32
      %parallel_loop3A_202 = arith.index_cast %parallel_loop3A_201 : i32 to index
      %parallel_loop3A_203 = arith.constant 16 : index
      %parallel_loop3A_204 = tpu.vector_load %arg8[%parallel_loop3A_202, %parallel_loop3A_203] {strides = array<i32>} : memref<64x128xf32, #tpu.memory_space<vmem>>, vector<16xf32>,
      tpu.vector_store %arg8[%parallel_loop3A_202, %parallel_loop3A_203], %parallel_loop3A_197 {strides = array<i32>} : memref<64x128xf32, #tpu.memory_space<vmem>>, vector<16xf32>,
      %parallel_loop3A_205 = vector.extract_strided_slice %parallel_loop3A_34 {offsets = [10], sizes = [1], strides = [1]} : vector<16xi32> to vector<1xi32>
      %parallel_loop3A_206 = vector.extract %parallel_loop3A_205[0] : i32 from vector<1xi32>
      %parallel_loop3A_207 = vector.extract_strided_slice %parallel_loop3A_44 {offsets = [10], sizes = [1], strides = [1]} : vector<16xi32> to vector<1xi32>
      %parallel_loop3A_208 = vector.extract %parallel_loop3A_207[0] : i32 from vector<1xi32>
      %parallel_loop3A_209 = vector.broadcast %parallel_loop3A_206 : i32 to vector<16xi32>
      %parallel_loop3A_210 = vector.broadcast %parallel_loop3A_208 : i32 to vector<16xi32>
      %parallel_loop3A_211 = arith.select %lt3A_22, %parallel_loop3A_209, %parallel_loop3A_210 : vector<16xi1>, vector<16xi32>
      %parallel_loop3A_212 = arith.addi %iota3A, %parallel_loop3A_211 : vector<16xi32>
      %parallel_loop3A_213 = tpu.vector_load_idx %arg5[%parallel_loop3A_212] : memref<16000xf32, #tpu.memory_space<vmem>>[vector<16xi32>], vector<16xf32>,
      %parallel_loop3A_214 = arith.constant 2 : i32
      %parallel_loop3A_215 = arith.muli %parallel_loop3A_214, %parallel_loop3A_27 : i32
      %parallel_loop3A_216 = arith.constant 1 : i32
      %parallel_loop3A_217 = arith.addi %parallel_loop3A_215, %parallel_loop3A_216 : i32
      %parallel_loop3A_218 = arith.index_cast %parallel_loop3A_217 : i32 to index
      %parallel_loop3A_219 = arith.constant 32 : index
      %parallel_loop3A_220 = tpu.vector_load %arg8[%parallel_loop3A_218, %parallel_loop3A_219] {strides = array<i32>} : memref<64x128xf32, #tpu.memory_space<vmem>>, vector<16xf32>,
      tpu.vector_store %arg8[%parallel_loop3A_218, %parallel_loop3A_219], %parallel_loop3A_213 {strides = array<i32>} : memref<64x128xf32, #tpu.memory_space<vmem>>, vector<16xf32>,
      %parallel_loop3A_221 = vector.extract_strided_slice %parallel_loop3A_34 {offsets = [11], sizes = [1], strides = [1]} : vector<16xi32> to vector<1xi32>
      %parallel_loop3A_222 = vector.extract %parallel_loop3A_221[0] : i32 from vector<1xi32>
      %parallel_loop3A_223 = vector.extract_strided_slice %parallel_loop3A_44 {offsets = [11], sizes = [1], strides = [1]} : vector<16xi32> to vector<1xi32>
      %parallel_loop3A_224 = vector.extract %parallel_loop3A_223[0] : i32 from vector<1xi32>
      %parallel_loop3A_225 = vector.broadcast %parallel_loop3A_222 : i32 to vector<16xi32>
      %parallel_loop3A_226 = vector.broadcast %parallel_loop3A_224 : i32 to vector<16xi32>
      %parallel_loop3A_227 = arith.select %lt3A_22, %parallel_loop3A_225, %parallel_loop3A_226 : vector<16xi1>, vector<16xi32>
      %parallel_loop3A_228 = arith.addi %iota3A, %parallel_loop3A_227 : vector<16xi32>
      %parallel_loop3A_229 = tpu.vector_load_idx %arg5[%parallel_loop3A_228] : memref<16000xf32, #tpu.memory_space<vmem>>[vector<16xi32>], vector<16xf32>,
      %parallel_loop3A_230 = arith.constant 2 : i32
      %parallel_loop3A_231 = arith.muli %parallel_loop3A_230, %parallel_loop3A_27 : i32
      %parallel_loop3A_232 = arith.constant 1 : i32
      %parallel_loop3A_233 = arith.addi %parallel_loop3A_231, %parallel_loop3A_232 : i32
      %parallel_loop3A_234 = arith.index_cast %parallel_loop3A_233 : i32 to index
      %parallel_loop3A_235 = arith.constant 48 : index
      %parallel_loop3A_236 = tpu.vector_load %arg8[%parallel_loop3A_234, %parallel_loop3A_235] {strides = array<i32>} : memref<64x128xf32, #tpu.memory_space<vmem>>, vector<16xf32>,
      tpu.vector_store %arg8[%parallel_loop3A_234, %parallel_loop3A_235], %parallel_loop3A_229 {strides = array<i32>} : memref<64x128xf32, #tpu.memory_space<vmem>>, vector<16xf32>,
      %parallel_loop3A_237 = vector.extract_strided_slice %parallel_loop3A_34 {offsets = [12], sizes = [1], strides = [1]} : vector<16xi32> to vector<1xi32>
      %parallel_loop3A_238 = vector.extract %parallel_loop3A_237[0] : i32 from vector<1xi32>
      %parallel_loop3A_239 = vector.extract_strided_slice %parallel_loop3A_44 {offsets = [12], sizes = [1], strides = [1]} : vector<16xi32> to vector<1xi32>
      %parallel_loop3A_240 = vector.extract %parallel_loop3A_239[0] : i32 from vector<1xi32>
      %parallel_loop3A_241 = vector.broadcast %parallel_loop3A_238 : i32 to vector<16xi32>
      %parallel_loop3A_242 = vector.broadcast %parallel_loop3A_240 : i32 to vector<16xi32>
      %parallel_loop3A_243 = arith.select %lt3A_22, %parallel_loop3A_241, %parallel_loop3A_242 : vector<16xi1>, vector<16xi32>
      %parallel_loop3A_244 = arith.addi %iota3A, %parallel_loop3A_243 : vector<16xi32>
      %parallel_loop3A_245 = tpu.vector_load_idx %arg5[%parallel_loop3A_244] : memref<16000xf32, #tpu.memory_space<vmem>>[vector<16xi32>], vector<16xf32>,
      %parallel_loop3A_246 = arith.constant 2 : i32
      %parallel_loop3A_247 = arith.muli %parallel_loop3A_246, %parallel_loop3A_27 : i32
      %parallel_loop3A_248 = arith.constant 1 : i32
      %parallel_loop3A_249 = arith.addi %parallel_loop3A_247, %parallel_loop3A_248 : i32
      %parallel_loop3A_250 = arith.index_cast %parallel_loop3A_249 : i32 to index
      %parallel_loop3A_251 = arith.constant 64 : index
      %parallel_loop3A_252 = tpu.vector_load %arg8[%parallel_loop3A_250, %parallel_loop3A_251] {strides = array<i32>} : memref<64x128xf32, #tpu.memory_space<vmem>>, vector<16xf32>,
      tpu.vector_store %arg8[%parallel_loop3A_250, %parallel_loop3A_251], %parallel_loop3A_245 {strides = array<i32>} : memref<64x128xf32, #tpu.memory_space<vmem>>, vector<16xf32>,
      %parallel_loop3A_253 = vector.extract_strided_slice %parallel_loop3A_34 {offsets = [13], sizes = [1], strides = [1]} : vector<16xi32> to vector<1xi32>
      %parallel_loop3A_254 = vector.extract %parallel_loop3A_253[0] : i32 from vector<1xi32>
      %parallel_loop3A_255 = vector.extract_strided_slice %parallel_loop3A_44 {offsets = [13], sizes = [1], strides = [1]} : vector<16xi32> to vector<1xi32>
      %parallel_loop3A_256 = vector.extract %parallel_loop3A_255[0] : i32 from vector<1xi32>
      %parallel_loop3A_257 = vector.broadcast %parallel_loop3A_254 : i32 to vector<16xi32>
      %parallel_loop3A_258 = vector.broadcast %parallel_loop3A_256 : i32 to vector<16xi32>
      %parallel_loop3A_259 = arith.select %lt3A_22, %parallel_loop3A_257, %parallel_loop3A_258 : vector<16xi1>, vector<16xi32>
      %parallel_loop3A_260 = arith.addi %iota3A, %parallel_loop3A_259 : vector<16xi32>
      %parallel_loop3A_261 = tpu.vector_load_idx %arg5[%parallel_loop3A_260] : memref<16000xf32, #tpu.memory_space<vmem>>[vector<16xi32>], vector<16xf32>,
      %parallel_loop3A_262 = arith.constant 2 : i32
      %parallel_loop3A_263 = arith.muli %parallel_loop3A_262, %parallel_loop3A_27 : i32
      %parallel_loop3A_264 = arith.constant 1 : i32
      %parallel_loop3A_265 = arith.addi %parallel_loop3A_263, %parallel_loop3A_264 : i32
      %parallel_loop3A_266 = arith.index_cast %parallel_loop3A_265 : i32 to index
      %parallel_loop3A_267 = arith.constant 80 : index
      %parallel_loop3A_268 = tpu.vector_load %arg8[%parallel_loop3A_266, %parallel_loop3A_267] {strides = array<i32>} : memref<64x128xf32, #tpu.memory_space<vmem>>, vector<16xf32>,
      tpu.vector_store %arg8[%parallel_loop3A_266, %parallel_loop3A_267], %parallel_loop3A_261 {strides = array<i32>} : memref<64x128xf32, #tpu.memory_space<vmem>>, vector<16xf32>,
      %parallel_loop3A_269 = vector.extract_strided_slice %parallel_loop3A_34 {offsets = [14], sizes = [1], strides = [1]} : vector<16xi32> to vector<1xi32>
      %parallel_loop3A_270 = vector.extract %parallel_loop3A_269[0] : i32 from vector<1xi32>
      %parallel_loop3A_271 = vector.extract_strided_slice %parallel_loop3A_44 {offsets = [14], sizes = [1], strides = [1]} : vector<16xi32> to vector<1xi32>
      %parallel_loop3A_272 = vector.extract %parallel_loop3A_271[0] : i32 from vector<1xi32>
      %parallel_loop3A_273 = vector.broadcast %parallel_loop3A_270 : i32 to vector<16xi32>
      %parallel_loop3A_274 = vector.broadcast %parallel_loop3A_272 : i32 to vector<16xi32>
      %parallel_loop3A_275 = arith.select %lt3A_22, %parallel_loop3A_273, %parallel_loop3A_274 : vector<16xi1>, vector<16xi32>
      %parallel_loop3A_276 = arith.addi %iota3A, %parallel_loop3A_275 : vector<16xi32>
      %parallel_loop3A_277 = tpu.vector_load_idx %arg5[%parallel_loop3A_276] : memref<16000xf32, #tpu.memory_space<vmem>>[vector<16xi32>], vector<16xf32>,
      %parallel_loop3A_278 = arith.constant 2 : i32
      %parallel_loop3A_279 = arith.muli %parallel_loop3A_278, %parallel_loop3A_27 : i32
      %parallel_loop3A_280 = arith.constant 1 : i32
      %parallel_loop3A_281 = arith.addi %parallel_loop3A_279, %parallel_loop3A_280 : i32
      %parallel_loop3A_282 = arith.index_cast %parallel_loop3A_281 : i32 to index
      %parallel_loop3A_283 = arith.constant 96 : index
      %parallel_loop3A_284 = tpu.vector_load %arg8[%parallel_loop3A_282, %parallel_loop3A_283] {strides = array<i32>} : memref<64x128xf32, #tpu.memory_space<vmem>>, vector<16xf32>,
      tpu.vector_store %arg8[%parallel_loop3A_282, %parallel_loop3A_283], %parallel_loop3A_277 {strides = array<i32>} : memref<64x128xf32, #tpu.memory_space<vmem>>, vector<16xf32>,
      %parallel_loop3A_285 = vector.extract_strided_slice %parallel_loop3A_34 {offsets = [15], sizes = [1], strides = [1]} : vector<16xi32> to vector<1xi32>
      %parallel_loop3A_286 = vector.extract %parallel_loop3A_285[0] : i32 from vector<1xi32>
      %parallel_loop3A_287 = vector.extract_strided_slice %parallel_loop3A_44 {offsets = [15], sizes = [1], strides = [1]} : vector<16xi32> to vector<1xi32>
      %parallel_loop3A_288 = vector.extract %parallel_loop3A_287[0] : i32 from vector<1xi32>
      %parallel_loop3A_289 = vector.broadcast %parallel_loop3A_286 : i32 to vector<16xi32>
      %parallel_loop3A_290 = vector.broadcast %parallel_loop3A_288 : i32 to vector<16xi32>
      %parallel_loop3A_291 = arith.select %lt3A_22, %parallel_loop3A_289, %parallel_loop3A_290 : vector<16xi1>, vector<16xi32>
      %parallel_loop3A_292 = arith.addi %iota3A, %parallel_loop3A_291 : vector<16xi32>
      %parallel_loop3A_293 = tpu.vector_load_idx %arg5[%parallel_loop3A_292] : memref<16000xf32, #tpu.memory_space<vmem>>[vector<16xi32>], vector<16xf32>,
      %parallel_loop3A_294 = arith.constant 2 : i32
      %parallel_loop3A_295 = arith.muli %parallel_loop3A_294, %parallel_loop3A_27 : i32
      %parallel_loop3A_296 = arith.constant 1 : i32
      %parallel_loop3A_297 = arith.addi %parallel_loop3A_295, %parallel_loop3A_296 : i32
      %parallel_loop3A_298 = arith.index_cast %parallel_loop3A_297 : i32 to index
      %parallel_loop3A_299 = arith.constant 112 : index
      %parallel_loop3A_300 = tpu.vector_load %arg8[%parallel_loop3A_298, %parallel_loop3A_299] {strides = array<i32>} : memref<64x128xf32, #tpu.memory_space<vmem>>, vector<16xf32>,
      tpu.vector_store %arg8[%parallel_loop3A_298, %parallel_loop3A_299], %parallel_loop3A_293 {strides = array<i32>} : memref<64x128xf32, #tpu.memory_space<vmem>>, vector<16xf32>,
    } {sc.loop_unroll_factor = 1 : i64, sc.parallel_access}
    %mul3A_25 = arith.constant 64 : i32
    %mul3A_26 = arith.muli %add3A, %mul3A_25 : i32
    "tpu.region"() ({
      %run_scoped3A = tpu.sem_alloc : memref<!tpu.dma_semaphore, #tpu.memory_space<semaphore_mem>>
      %dma_start3A_27 = arith.constant 0 : i32
      %dma_start3A_28 = tpu.memref_slice %arg4[%mul3A_26, %dma_start3A_27] : memref<2048x128xf32, #tpu.memory_space<hbm>> -> memref<64x128xf32, #tpu.memory_space<hbm>>
      %dma_start3A_29 = arith.constant 0 : i32
      %dma_start3A_30 = tpu.memref_slice %arg4[%mul3A_26, %dma_start3A_29] : memref<2048x128xf32, #tpu.memory_space<hbm>> -> memref<64x128xf32, #tpu.memory_space<hbm>>
      tpu.enqueue_dma source(%arg8 : memref<64x128xf32, #tpu.memory_space<vmem>>) target(%dma_start3A_30 : memref<64x128xf32, #tpu.memory_space<hbm>>) target_semaphore(%run_scoped3A : memref<!tpu.dma_semaphore, #tpu.memory_space<semaphore_mem>>)
      %dma_wait3A_31 = arith.constant 0 : i32
      %dma_wait3A_32 = tpu.memref_slice %arg4[%mul3A_26, %dma_wait3A_31] : memref<2048x128xf32, #tpu.memory_space<hbm>> -> memref<64x128xf32, #tpu.memory_space<hbm>>
      %dma_wait3A_33 = arith.constant 0 : i32
      %dma_wait3A_34 = tpu.memref_slice %arg4[%mul3A_26, %dma_wait3A_33] : memref<2048x128xf32, #tpu.memory_space<hbm>> -> memref<64x128xf32, #tpu.memory_space<hbm>>
      tpu.wait_dma2 semaphore(%run_scoped3A : memref<!tpu.dma_semaphore, #tpu.memory_space<semaphore_mem>>) src(%arg8 : memref<64x128xf32, #tpu.memory_space<vmem>>) dst(%dma_wait3A_34 : memref<64x128xf32, #tpu.memory_space<hbm>>)
      tpu.yield
    }) : () -> ()
    return
  }
}

module attributes {stable_mosaic.version = 14 : i64} {
  func.func @_mlp_body(%arg0: i32, %arg1: memref<1024x128xf32, #tpu.memory_space<vmem>>, %arg2: memref<16x128xf32, #tpu.memory_space<vmem>>, %arg3: memref<1x128xf32, #tpu.memory_space<vmem>>, %arg4: memref<128x1xf32, #tpu.memory_space<vmem>>, %arg5: memref<1x1xf32, #tpu.memory_space<vmem>>, %arg6: memref<1024x8xf32, #tpu.memory_space<vmem>>) attributes {dimension_semantics = [#tpu.dimension_semantics<arbitrary>], iteration_bounds = array<i64: 2>, scalar_prefetch = 0 : i64, scratch_operands = 0 : i64, tpu.core_type = #tpu.core_type<tc>, window_params = [{transform_indices = @transform_0, window_bounds = array<i64: 1024, 128>}, {pipeline_mode = #tpu.pipeline_mode<synchronous>, transform_indices = @transform_1, window_bounds = array<i64: 16, 128>}, {pipeline_mode = #tpu.pipeline_mode<synchronous>, transform_indices = @transform_2, window_bounds = array<i64: 1, 128>}, {pipeline_mode = #tpu.pipeline_mode<synchronous>, transform_indices = @transform_3, window_bounds = array<i64: 128, 1>}, {pipeline_mode = #tpu.pipeline_mode<synchronous>, transform_indices = @transform_4, window_bounds = array<i64: 1, 1>}, {transform_indices = @transform_5, window_bounds = array<i64: 1024, 8>}]} {
    %get3A = arith.constant 0 : index
    %get3A_0 = arith.constant 0 : index
    %get3A_1 = vector.load %arg2[%get3A, %get3A_0] : memref<16x128xf32, #tpu.memory_space<vmem>>, vector<16x128xf32>
    %concatenate3A = tpu.concatenate %get3A_1, %get3A_1, %get3A_1, %get3A_1, %get3A_1, %get3A_1, %get3A_1, %get3A_1 in 1 : vector<16x128xf32>, vector<16x128xf32>, vector<16x128xf32>, vector<16x128xf32>, vector<16x128xf32>, vector<16x128xf32>, vector<16x128xf32>, vector<16x128xf32> -> vector<16x1024xf32>
    %concatenate3A_2 = tpu.concatenate %concatenate3A, %concatenate3A, %concatenate3A, %concatenate3A, %concatenate3A, %concatenate3A, %concatenate3A, %concatenate3A in 0 : vector<16x1024xf32>, vector<16x1024xf32>, vector<16x1024xf32>, vector<16x1024xf32>, vector<16x1024xf32>, vector<16x1024xf32>, vector<16x1024xf32>, vector<16x1024xf32> -> vector<128x1024xf32>
    %iota3A = tpu.iota {dimensions = array<i32: 0>} : vector<128x1024xi32>
    %jit3A = arith.constant 16 : i32
    %div3A = vector.broadcast %jit3A : i32 to vector<128x1024xi32>
    %div3A_3 = arith.divsi %iota3A, %div3A : vector<128x1024xi32>
    %sign3A = arith.constant 0 : i32
    %sign3A_4 = vector.broadcast %sign3A : i32 to vector<128x1024xi32>
    %sign3A_5 = arith.cmpi sgt, %iota3A, %sign3A_4 : vector<128x1024xi32>
    %sign3A_6 = arith.extui %sign3A_5 : vector<128x1024xi1> to vector<128x1024xi32>
    %sign3A_7 = arith.constant 0 : i32
    %sign3A_8 = vector.broadcast %sign3A_7 : i32 to vector<128x1024xi32>
    %sign3A_9 = arith.cmpi slt, %iota3A, %sign3A_8 : vector<128x1024xi32>
    %sign3A_10 = arith.extui %sign3A_9 : vector<128x1024xi1> to vector<128x1024xi32>
    %sign3A_11 = arith.subi %sign3A_6, %sign3A_10 : vector<128x1024xi32>
    %sign3A_12 = arith.constant 0 : i32
    %sign3A_13 = arith.cmpi sgt, %jit3A, %sign3A_12 : i32
    %sign3A_14 = arith.extui %sign3A_13 : i1 to i32
    %sign3A_15 = arith.constant 0 : i32
    %sign3A_16 = arith.cmpi slt, %jit3A, %sign3A_15 : i32
    %sign3A_17 = arith.extui %sign3A_16 : i1 to i32
    %sign3A_18 = arith.subi %sign3A_14, %sign3A_17 : i32
    %ne3A = vector.broadcast %sign3A_18 : i32 to vector<128x1024xi32>
    %ne3A_19 = arith.cmpi ne, %sign3A_11, %ne3A : vector<128x1024xi32>
    %rem3A = vector.broadcast %jit3A : i32 to vector<128x1024xi32>
    %rem3A_20 = arith.remsi %iota3A, %rem3A : vector<128x1024xi32>
    %ne3A_21 = arith.constant 0 : i32
    %ne3A_22 = vector.broadcast %ne3A_21 : i32 to vector<128x1024xi32>
    %ne3A_23 = arith.cmpi ne, %rem3A_20, %ne3A_22 : vector<128x1024xi32>
    %and3A = arith.andi %ne3A_19, %ne3A_23 : vector<128x1024xi1>
    %sub3A = arith.constant 1 : i32
    %sub3A_24 = vector.broadcast %sub3A : i32 to vector<128x1024xi32>
    %sub3A_25 = arith.subi %div3A_3, %sub3A_24 : vector<128x1024xi32>
    %select_n3A = arith.select %and3A, %sub3A_25, %div3A_3 : vector<128x1024xi1>, vector<128x1024xi32>
    %iota3A_26 = tpu.iota {dimensions = array<i32: 1>} : vector<128x1024xi32>
    %jit3A_27 = arith.constant 128 : i32
    %div3A_28 = vector.broadcast %jit3A_27 : i32 to vector<128x1024xi32>
    %div3A_29 = arith.divsi %iota3A_26, %div3A_28 : vector<128x1024xi32>
    %sign3A_30 = arith.constant 0 : i32
    %sign3A_31 = vector.broadcast %sign3A_30 : i32 to vector<128x1024xi32>
    %sign3A_32 = arith.cmpi sgt, %iota3A_26, %sign3A_31 : vector<128x1024xi32>
    %sign3A_33 = arith.extui %sign3A_32 : vector<128x1024xi1> to vector<128x1024xi32>
    %sign3A_34 = arith.constant 0 : i32
    %sign3A_35 = vector.broadcast %sign3A_34 : i32 to vector<128x1024xi32>
    %sign3A_36 = arith.cmpi slt, %iota3A_26, %sign3A_35 : vector<128x1024xi32>
    %sign3A_37 = arith.extui %sign3A_36 : vector<128x1024xi1> to vector<128x1024xi32>
    %sign3A_38 = arith.subi %sign3A_33, %sign3A_37 : vector<128x1024xi32>
    %sign3A_39 = arith.constant 0 : i32
    %sign3A_40 = arith.cmpi sgt, %jit3A_27, %sign3A_39 : i32
    %sign3A_41 = arith.extui %sign3A_40 : i1 to i32
    %sign3A_42 = arith.constant 0 : i32
    %sign3A_43 = arith.cmpi slt, %jit3A_27, %sign3A_42 : i32
    %sign3A_44 = arith.extui %sign3A_43 : i1 to i32
    %sign3A_45 = arith.subi %sign3A_41, %sign3A_44 : i32
    %ne3A_46 = vector.broadcast %sign3A_45 : i32 to vector<128x1024xi32>
    %ne3A_47 = arith.cmpi ne, %sign3A_38, %ne3A_46 : vector<128x1024xi32>
    %rem3A_48 = vector.broadcast %jit3A_27 : i32 to vector<128x1024xi32>
    %rem3A_49 = arith.remsi %iota3A_26, %rem3A_48 : vector<128x1024xi32>
    %ne3A_50 = arith.constant 0 : i32
    %ne3A_51 = vector.broadcast %ne3A_50 : i32 to vector<128x1024xi32>
    %ne3A_52 = arith.cmpi ne, %rem3A_49, %ne3A_51 : vector<128x1024xi32>
    %and3A_53 = arith.andi %ne3A_47, %ne3A_52 : vector<128x1024xi1>
    %sub3A_54 = arith.constant 1 : i32
    %sub3A_55 = vector.broadcast %sub3A_54 : i32 to vector<128x1024xi32>
    %sub3A_56 = arith.subi %div3A_29, %sub3A_55 : vector<128x1024xi32>
    %select_n3A_57 = arith.select %and3A_53, %sub3A_56, %div3A_29 : vector<128x1024xi1>, vector<128x1024xi32>
    %eq3A = arith.cmpi eq, %select_n3A, %select_n3A_57 : vector<128x1024xi32>
    %jit3A_58 = arith.constant 0.000000e+00 : f32
    %broadcast_in_dim3A = vector.broadcast %jit3A_58 : f32 to vector<128x1024xf32>
    %select_n3A_59 = arith.select %eq3A, %concatenate3A_2, %broadcast_in_dim3A : vector<128x1024xi1>, vector<128x1024xf32>
    %convert_element_type3A = arith.truncf %select_n3A_59 : vector<128x1024xf32> to vector<128x1024xbf16>
    %get3A_60 = arith.constant 0 : index
    %get3A_61 = arith.constant 0 : index
    %get3A_62 = vector.load %arg3[%get3A_60, %get3A_61] : memref<1x128xf32, #tpu.memory_space<vmem>>, vector<1x128xf32>
    %concatenate3A_63 = tpu.concatenate %get3A_62, %get3A_62, %get3A_62, %get3A_62, %get3A_62, %get3A_62, %get3A_62, %get3A_62 in 1 : vector<1x128xf32>, vector<1x128xf32>, vector<1x128xf32>, vector<1x128xf32>, vector<1x128xf32>, vector<1x128xf32>, vector<1x128xf32>, vector<1x128xf32> -> vector<1x1024xf32>
    %get3A_64 = arith.constant 0 : index
    %get3A_65 = arith.constant 0 : index
    %get3A_66 = vector.load %arg1[%get3A_64, %get3A_65] : memref<1024x128xf32, #tpu.memory_space<vmem>>, vector<1024x128xf32>
    %convert_element_type3A_67 = arith.truncf %get3A_66 : vector<1024x128xf32> to vector<1024x128xbf16>
    %dot_general3A = arith.constant dense<0.000000e+00> : vector<1024x1024xf32>
    %dot_general3A_68 = tpu.matmul %convert_element_type3A_67, %convert_element_type3A, %dot_general3A {dimension_numbers = #tpu.dot_dimension_numbers<[1], [0], [0], [1], [0, 0, 1, 1], [], []>, transpose_lhs_hint = false} : vector<1024x128xbf16>, vector<128x1024xbf16>, vector<1024x1024xf32> -> vector<1024x1024xf32>
    %add3A = vector.broadcast %concatenate3A_63 : vector<1x1024xf32> to vector<1024x1024xf32>
    %add3A_69 = arith.addf %dot_general3A_68, %add3A : vector<1024x1024xf32>
    %max3A = arith.constant 0.000000e+00 : f32
    %max3A_70 = vector.broadcast %max3A : f32 to vector<1024x1024xf32>
    %max3A_71 = arith.maximumf %add3A_69, %max3A_70 : vector<1024x1024xf32>
    %get3A_72 = arith.constant 0 : index
    %get3A_73 = arith.constant 0 : index
    %get3A_74 = vector.load %arg4[%get3A_72, %get3A_73] : memref<128x1xf32, #tpu.memory_space<vmem>>, vector<128x1xf32>
    %concatenate3A_75 = tpu.concatenate %get3A_74, %get3A_74, %get3A_74, %get3A_74, %get3A_74, %get3A_74, %get3A_74, %get3A_74 in 0 : vector<128x1xf32>, vector<128x1xf32>, vector<128x1xf32>, vector<128x1xf32>, vector<128x1xf32>, vector<128x1xf32>, vector<128x1xf32>, vector<128x1xf32> -> vector<1024x1xf32>
    %concatenate3A_76 = tpu.concatenate %concatenate3A_75, %concatenate3A_75, %concatenate3A_75, %concatenate3A_75, %concatenate3A_75, %concatenate3A_75, %concatenate3A_75, %concatenate3A_75 in 1 : vector<1024x1xf32>, vector<1024x1xf32>, vector<1024x1xf32>, vector<1024x1xf32>, vector<1024x1xf32>, vector<1024x1xf32>, vector<1024x1xf32>, vector<1024x1xf32> -> vector<1024x8xf32>
    %iota3A_77 = tpu.iota {dimensions = array<i32: 0>} : vector<1024x8xi32>
    %jit3A_78 = arith.constant 128 : i32
    %div3A_79 = vector.broadcast %jit3A_78 : i32 to vector<1024x8xi32>
    %div3A_80 = arith.divsi %iota3A_77, %div3A_79 : vector<1024x8xi32>
    %sign3A_81 = arith.constant 0 : i32
    %sign3A_82 = vector.broadcast %sign3A_81 : i32 to vector<1024x8xi32>
    %sign3A_83 = arith.cmpi sgt, %iota3A_77, %sign3A_82 : vector<1024x8xi32>
    %sign3A_84 = arith.extui %sign3A_83 : vector<1024x8xi1> to vector<1024x8xi32>
    %sign3A_85 = arith.constant 0 : i32
    %sign3A_86 = vector.broadcast %sign3A_85 : i32 to vector<1024x8xi32>
    %sign3A_87 = arith.cmpi slt, %iota3A_77, %sign3A_86 : vector<1024x8xi32>
    %sign3A_88 = arith.extui %sign3A_87 : vector<1024x8xi1> to vector<1024x8xi32>
    %sign3A_89 = arith.subi %sign3A_84, %sign3A_88 : vector<1024x8xi32>
    %sign3A_90 = arith.constant 0 : i32
    %sign3A_91 = arith.cmpi sgt, %jit3A_78, %sign3A_90 : i32
    %sign3A_92 = arith.extui %sign3A_91 : i1 to i32
    %sign3A_93 = arith.constant 0 : i32
    %sign3A_94 = arith.cmpi slt, %jit3A_78, %sign3A_93 : i32
    %sign3A_95 = arith.extui %sign3A_94 : i1 to i32
    %sign3A_96 = arith.subi %sign3A_92, %sign3A_95 : i32
    %ne3A_97 = vector.broadcast %sign3A_96 : i32 to vector<1024x8xi32>
    %ne3A_98 = arith.cmpi ne, %sign3A_89, %ne3A_97 : vector<1024x8xi32>
    %rem3A_99 = vector.broadcast %jit3A_78 : i32 to vector<1024x8xi32>
    %rem3A_100 = arith.remsi %iota3A_77, %rem3A_99 : vector<1024x8xi32>
    %ne3A_101 = arith.constant 0 : i32
    %ne3A_102 = vector.broadcast %ne3A_101 : i32 to vector<1024x8xi32>
    %ne3A_103 = arith.cmpi ne, %rem3A_100, %ne3A_102 : vector<1024x8xi32>
    %and3A_104 = arith.andi %ne3A_98, %ne3A_103 : vector<1024x8xi1>
    %sub3A_105 = arith.constant 1 : i32
    %sub3A_106 = vector.broadcast %sub3A_105 : i32 to vector<1024x8xi32>
    %sub3A_107 = arith.subi %div3A_80, %sub3A_106 : vector<1024x8xi32>
    %select_n3A_108 = arith.select %and3A_104, %sub3A_107, %div3A_80 : vector<1024x8xi1>, vector<1024x8xi32>
    %iota3A_109 = tpu.iota {dimensions = array<i32: 1>} : vector<1024x8xi32>
    %eq3A_110 = arith.cmpi eq, %select_n3A_108, %iota3A_109 : vector<1024x8xi32>
    %jit3A_111 = arith.constant 0.000000e+00 : f32
    %broadcast_in_dim3A_112 = vector.broadcast %jit3A_111 : f32 to vector<1024x8xf32>
    %select_n3A_113 = arith.select %eq3A_110, %concatenate3A_76, %broadcast_in_dim3A_112 : vector<1024x8xi1>, vector<1024x8xf32>
    %convert_element_type3A_114 = arith.truncf %select_n3A_113 : vector<1024x8xf32> to vector<1024x8xbf16>
    %convert_element_type3A_115 = arith.truncf %max3A_71 : vector<1024x1024xf32> to vector<1024x1024xbf16>
    %dot_general3A_116 = arith.constant dense<0.000000e+00> : vector<1024x8xf32>
    %dot_general3A_117 = tpu.matmul %convert_element_type3A_115, %convert_element_type3A_114, %dot_general3A_116 {dimension_numbers = #tpu.dot_dimension_numbers<[1], [0], [0], [1], [0, 0, 1, 1], [], []>, transpose_lhs_hint = false} : vector<1024x1024xbf16>, vector<1024x8xbf16>, vector<1024x8xf32> -> vector<1024x8xf32>
    %get3A_118 = arith.constant 0 : index
    %get3A_119 = arith.constant 0 : index
    %get3A_120 = vector.load %arg5[%get3A_118, %get3A_119] : memref<1x1xf32, #tpu.memory_space<vmem>>, vector<1x1xf32>
    %add3A_121 = vector.broadcast %get3A_120 : vector<1x1xf32> to vector<1024x8xf32>
    %add3A_122 = arith.addf %dot_general3A_117, %add3A_121 : vector<1024x8xf32>
    %neg3A = arith.constant 0.000000e+00 : f32
    %neg3A_123 = vector.broadcast %neg3A : f32 to vector<1024x8xf32>
    %neg3A_124 = arith.subf %neg3A_123, %add3A_122 : vector<1024x8xf32>
    %exp3A = math.exp %neg3A_124 : vector<1024x8xf32>
    %add3A_125 = arith.constant 1.000000e+00 : f32
    %add3A_126 = vector.broadcast %add3A_125 : f32 to vector<1024x8xf32>
    %add3A_127 = arith.addf %add3A_126, %exp3A : vector<1024x8xf32>
    %div3A_128 = arith.constant 1.000000e+00 : f32
    %div3A_129 = vector.broadcast %div3A_128 : f32 to vector<1024x8xf32>
    %div3A_130 = arith.divf %div3A_129, %add3A_127 : vector<1024x8xf32>
    %swap3A = arith.constant 0 : index
    %swap3A_131 = arith.constant 0 : index
    %swap3A_132 = vector.load %arg6[%swap3A, %swap3A_131] : memref<1024x8xf32, #tpu.memory_space<vmem>>, vector<1024x8xf32>
    tpu.vector_store %arg6[%swap3A, %swap3A_131], %div3A_130 {strides = array<i32>} : memref<1024x8xf32, #tpu.memory_space<vmem>>, vector<1024x8xf32>,
    return
  }
  func.func @transform_0(%arg0: i32) -> (i32, i32) {
    %c0_i32 = arith.constant 0 : i32
    %c0_i32_0 = arith.constant 0 : i32
    return %arg0, %c0_i32 : i32, i32
  }
  func.func @transform_1(%arg0: i32) -> (i32, i32) {
    %c0_i32 = arith.constant 0 : i32
    %c0_i32_0 = arith.constant 0 : i32
    %c0_i32_1 = arith.constant 0 : i32
    return %c0_i32, %c0_i32_0 : i32, i32
  }
  func.func @transform_2(%arg0: i32) -> (i32, i32) {
    %c0_i32 = arith.constant 0 : i32
    %c0_i32_0 = arith.constant 0 : i32
    %c0_i32_1 = arith.constant 0 : i32
    return %c0_i32, %c0_i32_0 : i32, i32
  }
  func.func @transform_3(%arg0: i32) -> (i32, i32) {
    %c0_i32 = arith.constant 0 : i32
    %c0_i32_0 = arith.constant 0 : i32
    %c0_i32_1 = arith.constant 0 : i32
    return %c0_i32, %c0_i32_0 : i32, i32
  }
  func.func @transform_4(%arg0: i32) -> (i32, i32) {
    %c0_i32 = arith.constant 0 : i32
    %c0_i32_0 = arith.constant 0 : i32
    %c0_i32_1 = arith.constant 0 : i32
    return %c0_i32, %c0_i32_0 : i32, i32
  }
  func.func @transform_5(%arg0: i32) -> (i32, i32) {
    %c0_i32 = arith.constant 0 : i32
    %c0_i32_0 = arith.constant 0 : i32
    return %arg0, %c0_i32 : i32, i32
  }
}

</mosaic_0001>

<sc_bundles>
// kernel: kernel.4.cloned.1.call-start
scs
__scs_entry_jumppad:
0x0: {  	(pc) =	sbr.rel $0x88, $3  }
0x1: {  	(tag) =	ssettag $0x0;
	lr =	simm.s32 $0x1  }
0x2: {  	[smem:$0x3F9A] =	sst lr;
	_ =	strace $0xD0000000  }
0x3: {  	_ = 	snop  }
0x4: {  	_ = 	snop  }
0x5: {  	_ = 	snop  }
0x6: {  	_ = 	snop  }
0x7: {  	_ = 	snop  }
__scs_overlays_trampoline_lowered:
0x8: {  	[smem:$0x3FA9] =	sst s0  }
0x9: {  	[smem:$0x3FAA] =	sst s1  }
0xa: {  	[smem:$0x3FAB] =	sst s2  }
0xb: {  	[smem:$0x3FAC] =	sst s3  }
0xc: {  	[smem:$0x3FAD] =	sst s4  }
0xd: {  	[smem:$0x3FAE] =	sst s5  }
0xe: {  	[smem:$0x3FAF] =	sst s6  }
0xf: {  	[smem:$0x3FB0] =	sst s7  }
0x10: {  	[smem:$0x3FB1] =	sst s8  }
0x11: {  	[smem:$0x3FB2] =	sst s9;
	s0 =	simm.s32 @!p0 $0x0  }
0x12: {  	s1 =	sld [smem:$0x3F98];
	s0 =	simm.s32 @p0 $0x1  }
0x13: {  	[smem:$0x3FB3] =	sst s0;
	s0 =	simm.s32 @!p1 $0x0  }
0x14: {  	s2 =	sld [smem:$0x3F97];
	s0 =	simm.s32 @p1 $0x1  }
0x15: {  	[smem:$0x3FB4] =	sst s0;
	s0 =	simm.s32 @!p2 $0x0  }
0x16: {  	s3 =	sld [smem:$0x3FDB];
	s0 =	simm.s32 @p2 $0x1  }
0x17: {  	s4 =	simm.s32 $0x1BF5;
	[smem:$0x3FB6] =	sst s0  }
0x18: {  	s0 =	sld [smem:$0x3F99];
	_ =	swait.ge [sflag:s4], $0x0  }
0x19: {  	s7 =	sld [smem:$0x3F9A]  }
0x1a: {  	s8 =	sadd.s32 $0xFFFFE003, lr  }
0x1b: {  	s9 =	sadd.s32 $0xFFFFFEF7, lr;
	s5 =	simm.s32 $0xFFFFFFFF;
	p2 =	slt.u32 s8, $0xFFFFF086  }
0x1c: {  	p1 =	slt.u32 s9, $0xF7A;
	s5 =	simm.s32 @!p2 $0x0  }
0x1d: {  	s5 =	simm.s32 @p1 $0x1;
	p0 =	seq.s32 s7, s2  }
0x1e: {  	s7 =	smul.u32 @!p0 $0xF7A, s2;
	p2 =	seq.s32 @!p0 s5, $0x0  }
0x1f: {  	s9 =	smul.u32 $0xF7A, s1;
	s8 =	simm.s32 @!p0 $0x1BF5;
	p2 =	por !p2, p0  }
0x20: {  	[sflag:s8] =	ssyncset.s32 @!p0 $0xFFFFF086;
	s6 =	sadd.s32 @!p0 s3, s7;
	s7 =	simm.s32 @!p0 $0x108  }
0x21: {  	s3 =	sadd.s32 s3, s9;
	s6 =	sadd.s32 @!p0 $0x88, s6;
	s7 =	simm.s32 @p2 $0x1082  }
0x22: {  	[simem:s7], [sflag:s8] =	dma.local @!p0 [hbm:s6], $0xF7A  }
0x23: {  	s9 =	sor.u32 $0xD0000000, s2;
	s6 =	simm.s32 $0x108;
	_ =	swait.ge @!p0 [sflag:s8], $0x0  }
0x24: {  	s3 =	sadd.s32 $0x88, s3;
	s6 =	simm.s32 @!p1 $0x1082;
	[sflag:s4] =	ssyncset.s32 $0xFFFFF086  }
0x25: {  	[simem:s6], [sflag:s4] =	dma.local [hbm:s3], $0xF7A  }
0x26: {  	[smem:$0x3F9A] =	sst s1;
	(tag) =	ssettag s2;
	_ =	strace s9  }
0x27: {  	s1 =	sld [smem:$0x3FAA]  }
0x28: {  	s2 =	sld [smem:$0x3FAB]  }
0x29: {  	s4 =	sld [smem:$0x3FAD]  }
0x2a: {  	p0 =	seq.s32 s5, $0x0;
	s5 =	sld [smem:$0x3FAE]  }
0x2b: {  	s6 =	sld [smem:$0x3FAF]  }
0x2c: {  	s7 =	sld [smem:$0x3FB0]  }
0x2d: {  	s3 =	simm.s32 $0x108;
	s8 =	sld [smem:$0x3FB1]  }
0x2e: {  	s3 =	simm.s32 @!p0 $0x1082;
	s9 =	sld [smem:$0x3FB2]  }
0x2f: {  	lr =	sadd.s32 s0, s3;
	s0 =	sld [smem:$0x3FA9]  }
0x30: {  	s3 =	sld [smem:$0x3FAC]  }
0x31: {  	[smem:$0x3FB5] =	sst s10  }
0x32: {  	s10 =	sld [smem:$0x3FB3];
	_ =	sdelay $0x3  }
0x33: {  	p0 =	seq.s32 s10, $0x1;
	s10 =	sld [smem:$0x3FB5];
	_ =	sdelay $0x3  }
0x34: {  	[smem:$0x3FB5] =	sst s10  }
0x35: {  	s10 =	sld [smem:$0x3FB4];
	_ =	sdelay $0x3  }
0x36: {  	p1 =	seq.s32 s10, $0x1;
	s10 =	sld [smem:$0x3FB5];
	_ =	sdelay $0x3  }
0x37: {  	[smem:$0x3FB5] =	sst s10  }
0x38: {  	s10 =	sld [smem:$0x3FB6]  }
0x39: {  	_ = 	snop;
	(pc) =	sbr.ind lr, $3  }
0x3a: {  	_ = 	snop  }
0x3b: {  	_ = 	snop  }
0x3c: {  	p2 =	seq.s32 s10, $0x1;
	s10 =	sld [smem:$0x3FB5]  }
0x3d: {  	_ =	shalt  }
0x3e: {  	_ =	shalt  }
0x3f: {  	_ =	shalt  }
0x40: {  	_ =	shalt  }
0x41: {  	_ =	shalt  }
0x42: {  	_ =	shalt  }
0x43: {  	_ =	shalt  }
0x44: {  	_ =	shalt  }
0x45: {  	_ =	shalt  }
0x46: {  	_ =	shalt  }
0x47: {  	_ =	shalt  }
0x48: {  	_ =	shalt  }
0x49: {  	_ =	shalt  }
0x4a: {  	_ =	shalt  }
0x4b: {  	_ =	shalt  }
0x4c: {  	_ =	shalt  }
0x4d: {  	_ =	shalt  }
0x4e: {  	_ =	shalt  }
0x4f: {  	_ =	shalt  }
0x50: {  	_ =	shalt  }
0x51: {  	_ =	shalt  }
0x52: {  	_ =	shalt  }
0x53: {  	_ =	shalt  }
0x54: {  	_ =	shalt  }
0x55: {  	_ =	shalt  }
0x56: {  	_ =	shalt  }
0x57: {  	_ =	shalt  }
0x58: {  	_ =	shalt  }
0x59: {  	_ =	shalt  }
0x5a: {  	_ =	shalt  }
0x5b: {  	_ =	shalt  }
0x5c: {  	_ =	shalt  }
0x5d: {  	_ =	shalt  }
0x5e: {  	_ =	shalt  }
0x5f: {  	_ =	shalt  }
0x60: {  	_ =	shalt  }
0x61: {  	_ =	shalt  }
0x62: {  	_ =	shalt  }
0x63: {  	_ =	shalt  }
0x64: {  	_ =	shalt  }
0x65: {  	_ =	shalt  }
0x66: {  	_ =	shalt  }
0x67: {  	_ =	shalt  }
0x68: {  	_ =	shalt  }
0x69: {  	_ =	shalt  }
0x6a: {  	_ =	shalt  }
0x6b: {  	_ =	shalt  }
0x6c: {  	_ =	shalt  }
0x6d: {  	_ =	shalt  }
0x6e: {  	_ =	shalt  }
0x6f: {  	_ =	shalt  }
0x70: {  	_ =	shalt  }
0x71: {  	_ =	shalt  }
0x72: {  	_ =	shalt  }
0x73: {  	_ =	shalt  }
0x74: {  	_ =	shalt  }
0x75: {  	_ =	shalt  }
0x76: {  	_ =	shalt  }
0x77: {  	_ =	shalt  }
0x78: {  	_ =	shalt  }
0x79: {  	_ =	shalt  }
0x7a: {  	_ =	shalt  }
0x7b: {  	_ =	shalt  }
0x7c: {  	_ =	shalt  }
0x7d: {  	_ =	shalt  }
0x7e: {  	_ =	shalt  }
0x7f: {  	_ =	shalt  }
0x80: {  	_ =	shalt  }
0x81: {  	_ =	shalt  }
0x82: {  	_ =	shalt  }
0x83: {  	_ =	shalt  }
0x84: {  	_ =	shalt  }
0x85: {  	_ =	shalt  }
0x86: {  	_ =	shalt  }
0x87: {  	_ =	shalt  }
.Lfunc_end0:
.L_simem_size_0:
called_computation_lowered:
.L_overlay_start_0:
0x88: {  	s2 =	sld [smem:$0x3FD9]  }
0x89: {  	s3 =	sld [smem:$0x3FFE];
	_ =	sdelay $0x1  }
0x8a: {  	s1 =	srdreg.scid  }
0x8b: {  	s0 =	sand.u32 $0x1, s1  }
0x8c: {  	s17 =	sshll.u32 s0, $0xA;
	s2 =	sadd.s32 s3, s2  }
0x8d: {  	s2 =	sadd.s32 s2, s17  }
0x8e: {  	[smem:$0x3FC1] =	sst s2  }
0x8f: {  	_ = 	snop  }
0x90: {  	s2 =	sld [smem:$0x3FC9]  }
0x91: {  	s18 =	sld [smem:$0x3FD0];
	(tm) =	ssettm $0x1  }
0x92: {  	s4 =	sld [smem:$0x3FFB];
	_ =	sdelay $0x3  }
0x93: {  	_ =	strace s4  }
0x94: {  	s4 =	sld [smem:$0x3FFC];
	_ =	sdelay $0x3  }
0x95: {  	_ =	strace s4  }
0x96: {  	s4 =	sld [smem:$0x3FFD];
	_ =	sdelay $0x3  }
0x97: {  	_ =	strace s4  }
0x98: {  	_ =	strace $0x8FFFFFFF  }
0x99: {  	s19 =	sld [smem:$0x3FDB];
	_ =	sdelay $0x1  }
0x9a: {  	s5 =	simm.s32 $_scs_section_size  }
0x9b: {  	s6 =	simm.s32 $_size__tile_overlayer_lowered;
	s7 =	simm.s32 $_tile_overlayer_lowered  }
0x9c: {  	s22 =	simm.s32 $0x1BFF;
	s21 =	sshll.u32 s7, $0x1;
	s4 =	sadd.s32 s5, s19  }
0x9d: {  	s8 =	simm.s32 $0x0;
	s20 =	sshll.u32 s6, $0x1;
	s6 =	sadd.s32 s21, s4  }
0x9e: {  	[timem:s8], [sflag:s22] =	dma.local [hbm:s6], s20  }
0x9f: {  	_ =	swait.ge [sflag:s22], s20  }
0xa0: {  	s5 =	ssub.s32 $0x0, s20;
	[sflag:s22] =	ssyncset.done $0x0  }
0xa1: {  	[sflag:s22] =	ssyncadd.s32 s5;
	_ =	sdelay $0x1  }
0xa2: {  	s23 =	simm.s32 $0x1B8B  }
0xa3: {  	_ =	swait.ge [sflag:s23], $0x1  }
0xa4: {  	[sflag:s23] =	ssyncset.done $0x0  }
0xa5: {  	s25 =	simm.s32 $0x1B8E;
	s24 =	sld [smem:$0x3FFE];
	[sflag:s23] =	ssyncadd.s32 $0xFFFFFFFF  }
0xa6: {  	s26 =	simm.s32 $execute0_lowered;
	[smem:$0x3FD2] =	sst s25  }
0xa7: {  	s6 =	sshll.u32 s26, $0x1;
	_ =	strace $0x80000046;
	[dreg:$0x1] =	wrdreg $0xFFFFFFFF  }
0xa8: {  	s28 =	simm.s32 $_size_execute0_lowered;
	s4 =	sadd.s32 s4, s6;
	[dreg:$0x0] =	wrdreg $0x0  }
0xa9: {  	s6 =	sshll.u32 s28, $0x1;
	[dreg:$0x2] =	wrdreg s4  }
0xaa: {  	[dreg:$0x3] =	wrdreg s6  }
0xab: {  	[dreg:$0x4] =	wrdreg $0xC0  }
0xac: {  	_ =	task [dreg:s8], $0x5FFFF  }
0xad: {  	[dreg:$0x1] =	wrdreg $0xFFFFFFFF  }
0xae: {  	[dreg:$0x0] =	wrdreg $0x60  }
0xaf: {  	[dreg:$0x2] =	wrdreg s18  }
0xb0: {  	[dreg:$0x3] =	wrdreg s2  }
0xb1: {  	[dreg:$0x4] =	wrdreg s24  }
0xb2: {  	[dreg:$0x5] =	wrdreg $0x9  }
0xb3: {  	_ =	task.clear_ibuf [dreg:s8], $0x6FFFF;
	_ =	strace $0x90000046  }
0xb4: {  	s29 =	simm.s32 $0x9;
	_ =	strace $0x80000048  }
0xb5: {  	_ =	swait.ge [sflag:s29], $0x1  }
0xb6: {  	[sflag:s29] =	ssyncadd.s32 $0xFFFFFFFF  }
0xb7: {  	_ =	strace $0x90000048  }
0xb8: {  	_ =	sfence  }
0xb9: {  	s30 =	sld [smem:$0x0];
	_ =	sdelay $0x2  }
0xba: {  	s31 =	sshll.u32 s1, $0xD;
	s1 =	sshrl.u32 s1, $0x2  }
0xbb: {  	s3 =	sand.u32 $0x4000, s31;
	s1 =	sadd.s32 s1, s30  }
0xbc: {  	s0 =	sor.u32 s3, s0;
	s1 =	sshll.u32 s1, $0x11  }
0xbd: {  	s0 =	sor.u32 s1, s0  }
0xbe: {  	s0 =	sadd.s32 $0x8F2B, s0  }
0xbf: {  	[sflag:s0] =	ssyncadd.remote.s32 $0x1  }
0xc0: {  	_ =	sfence.sel $0xFFFF  }
0xc1: {  	[dreg:$0x0] =	wrdreg $0xFFFFFFFF;
	(pc) =	sbr.abs _section_cstart, $3  }
0xc2: {  	[dreg:$0x1] =	wrdreg $0xFFFFFFFF  }
0xc3: {  	_ =	task.clear_ibuf [dreg:s8], $0x2FFFF;
	_ =	strace $0x9FFFFFFF  }
0xc4: {  	(tm) =	ssettm $0x7FFFFFFF  }
0xc5: {  	_ =	shalt  }
tec
execute0_lowered:
.L_overlay_start_1:
0x0: {  	(tag) =	ssettag $0x1  }
0x1: {  	s1 =	rddreg [dreg:$0x0]  }
0x2: {  	s4 =	rddreg [dreg:$0x1]  }
0x3: {  	s5 =	rddreg [dreg:$0x2]  }
0x4: {  	s0 =	rddreg [dreg:$0x3];
	s6 =	srdreg.scid  }
0x5: {  	s2 =	stileid.u32;
	s3 =	simm.s32 $0x0;
	s10 =	simm.s32 $0x3E80  }
0x6: {  	s11 =	simm.s32 $0x4080;
	s12 =	simm.s32 $0x2;
	s13 =	simm.s32 $0x3  }
0x7: {  	s14 =	simm.s32 $0x1;
	s15 =	simm.s32 $0x4280;
	s16 =	simm.s32 $0x4  }
0x8: {  	s6 =	sand.u32 $0x1, s6;
	s7 =	sshll.u32 s2, $0x1;
	[smem:$0x7FF] =	sst s3  }
0x9: {  	s17 =	simm.s32 $0x0;
	s7 =	sor.u32 s6, s7;
	_ =	strace $0x80000047  }
0xa: {  	s6 =	ssub.s32 $0x2, s6;
	s8 =	sshll.u32 s7, $0x7;
	s7 =	sshll.u32 s7, $0xA  }
0xb: {  	s9 =	sshrl.u32 s6, $0x1;
	s4 =	sadd.s32 s4, s8;
	s7 =	sadd.s32 s7, s5  }
0xc: {  	s31 =	ssub.s32 s6, s9;
	s8 =	simm.s32 $0x80;
	s9 =	simm.s32 $0x100  }
0xd: {  	vm0 =	vmmov $0xff;
	v0 =	vlaneseq.u32;
	s5 =	sadd.s32 $0x10, s4;
	s6 =	sadd.s32 $0xC00, s7;
	s7 =	smax.u32 s31, $0x1  }
.LBB2_1:
0xe: {  	[tilespmem:s3], [sflag:$0x1] =	stream.linear.gather [hbm4b:s1+s3], $0x3E80, $0x38;
	[tilespmem:$0x6280] =	vst v63  }
0xf: {  	_ = 	snop  }
0x10: {  	[tilespmem:s10], [sflag:$0x2] =	stream.strided.gather [hbm4b:s4+s8], $0x200, s9, s8, $0x38;
	[tilespmem:$0x6280] =	vst v63  }
0x11: {  	_ = 	snop  }
0x12: {  	[tilespmem:s11], [sflag:$0x3] =	stream.strided.gather [hbm4b:s5+s8], $0x200, s9, s8, $0x38;
	[tilespmem:$0x6280] =	vst v63  }
0x13: {  	_ =	swait.ge [sflag:s12], $0x200  }
0x14: {  	[sflag:s12] =	ssyncset.done $0x0  }
0x15: {  	[sflag:s12] =	ssyncadd.s32 $0xFFFFFE00  }
0x16: {  	_ =	swait.ge [sflag:s13], $0x200  }
0x17: {  	[sflag:s13] =	ssyncset.done $0x0  }
0x18: {  	[sflag:s13] =	ssyncadd.s32 $0xFFFFFE00  }
0x19: {  	_ =	swait.ge [sflag:s14], $0x3E80  }
0x1a: {  	[sflag:s14] =	ssyncset.done $0x0  }
0x1b: {  	s18 =	simm.s32 $0x0;
	[sflag:s14] =	ssyncadd.s32 $0xFFFFC180  }
0x1c: {  	v1 =	vld [tilespmem:s18+$0x4080]  }
0x1d: {  	v2 =	vld [tilespmem:s18+$0x3E80];
	_ =	sdelay $0x3  }
0x1e: {  	v1 =	vshll.u32 v1, $0x3  }
0x1f: {  	v10 =	vshll.u32 v2, $0x3;
	v9 =	vadd.s32 $0x1F38, v1  }
0x20: {  	v1 =	vbroadcast v10, $0x0;
	v2 =	vbroadcast v9, $0x0;
	_ =	sdelay $0x1  }
0x21: {  	v1 =	vsel vm0, v1, v2  }
0x22: {  	v1 =	vadd.s32 v0, v1;
	_ =	sdelay $0x2  }
0x23: {  	v3 =	vbroadcast v9, $0x1;
	v2 =	vbroadcast v10, $0x1;
	_ =	sdelay $0x1  }
0x24: {  	v2 =	vsel vm0, v2, v3;
	v1 =	vld.idx.msk [tilespmem:v1+s3+$0x0], $0xffff  }
0x25: {  	v2 =	vadd.s32 v0, v2;
	_ =	sdelay $0x2  }
0x26: {  	s19 =	simm.s32 $0x10;
	s18 =	simm.s32 $0x4300  }
0x27: {  	v5 =	vld [tilespmem:s19+$0x4080];
	v4 =	vbroadcast v9, $0x2;
	v3 =	vbroadcast v10, $0x2;
	[tilespmem:s18+$0xFFFFFF80] =	vst v1  }
0x28: {  	v1 =	vld.idx.msk [tilespmem:v2+s3+$0x0], $0xffff  }
0x29: {  	v2 =	vsel vm0, v3, v4;
	v3 =	vld [tilespmem:s19+$0x3E80]  }
0x2a: {  	v4 =	vadd.s32 v0, v2;
	_ =	sdelay $0x2  }
0x2b: {  	v5 =	vshll.u32 v5, $0x3;
	v6 =	vbroadcast v10, $0x3;
	v7 =	vbroadcast v9, $0x3  }
0x2c: {  	[tilespmem:s18+$0xFFFFFF90] =	vst v1;
	v2 =	vshll.u32 v3, $0x3;
	v1 =	vadd.s32 $0x1F38, v5  }
0x2d: {  	v3 =	vld.idx.msk [tilespmem:v4+s3+$0x0], $0xffff;
	v4 =	vsel vm0, v6, v7;
	v5 =	vbroadcast v2, $0x0;
	v6 =	vbroadcast v1, $0x0  }
0x2e: {  	v4 =	vadd.s32 v0, v4  }
0x2f: {  	v5 =	vsel vm0, v5, v6  }
0x30: {  	v5 =	vadd.s32 v0, v5  }
0x31: {  	v7 =	vbroadcast v9, $0x4;
	v6 =	vbroadcast v10, $0x4  }
0x32: {  	[tilespmem:s18+$0xFFFFFFA0] =	vst v3  }
0x33: {  	v3 =	vld.idx.msk [tilespmem:v4+s3+$0x0], $0xffff;
	v4 =	vsel vm0, v6, v7;
	v6 =	vbroadcast v2, $0x1;
	v7 =	vbroadcast v1, $0x1  }
0x34: {  	v4 =	vadd.s32 v0, v4  }
0x35: {  	v5 =	vld.idx.msk [tilespmem:v5+s3+$0x0], $0xffff;
	v6 =	vsel vm0, v6, v7  }
0x36: {  	v6 =	vadd.s32 v0, v6  }
0x37: {  	s20 =	simm.s32 $0x20;
	v8 =	vbroadcast v9, $0x5;
	v7 =	vbroadcast v10, $0x5  }
0x38: {  	v11 =	vld [tilespmem:s20+$0x4080];
	[tilespmem:s18+$0xFFFFFFB0] =	vst v3  }
0x39: {  	s19 =	simm.s32 $0x4400;
	v3 =	vld.idx.msk [tilespmem:v4+s3+$0x0], $0xffff;
	v4 =	vsel vm0, v7, v8;
	v7 =	vbroadcast v2, $0x2;
	v8 =	vbroadcast v1, $0x2  }
0x3a: {  	v12 =	vld [tilespmem:s20+$0x3E80];
	v4 =	vadd.s32 v0, v4;
	[tilespmem:s19+$0xFFFFFF80] =	vst v5  }
0x3b: {  	v5 =	vld.idx.msk [tilespmem:v6+s3+$0x0], $0xffff;
	v6 =	vsel vm0, v7, v8  }
0x3c: {  	v6 =	vadd.s32 v0, v6  }
0x3d: {  	v7 =	vbroadcast v10, $0x6;
	v8 =	vbroadcast v9, $0x6  }
0x3e: {  	v11 =	vshll.u32 v11, $0x3;
	[tilespmem:s18+$0xFFFFFFC0] =	vst v3  }
0x3f: {  	v14 =	vbroadcast v2, $0x3;
	v15 =	vbroadcast v1, $0x3;
	v7 =	vsel vm0, v7, v8;
	v13 =	vld.idx.msk [tilespmem:v4+s3+$0x0], $0xffff  }
0x40: {  	v3 =	vshll.u32 v12, $0x3;
	v7 =	vadd.s32 v0, v7;
	v4 =	vadd.s32 $0x1F38, v11;
	[tilespmem:s19+$0xFFFFFF90] =	vst v5  }
0x41: {  	v11 =	vsel vm0, v14, v15;
	v5 =	vbroadcast v3, $0x0;
	v8 =	vbroadcast v4, $0x0;
	v6 =	vld.idx.msk [tilespmem:v6+s3+$0x0], $0xffff  }
0x42: {  	v11 =	vadd.s32 v0, v11  }
0x43: {  	v12 =	vbroadcast v9, $0x7;
	v5 =	vsel vm0, v5, v8;
	v8 =	vbroadcast v10, $0x7  }
0x44: {  	v5 =	vadd.s32 v0, v5;
	[tilespmem:s18+$0xFFFFFFD0] =	vst v13  }
0x45: {  	v14 =	vbroadcast v1, $0x4;
	v13 =	vbroadcast v2, $0x4;
	v8 =	vsel vm0, v8, v12;
	v7 =	vld.idx.msk [tilespmem:v7+s3+$0x0], $0xffff  }
0x46: {  	v12 =	vbroadcast v4, $0x1;
	v8 =	vadd.s32 v0, v8;
	[tilespmem:s19+$0xFFFFFFA0] =	vst v6;
	v6 =	vbroadcast v3, $0x1  }
0x47: {  	v13 =	vsel vm0, v13, v14;
	v14 =	vbroadcast v9, $0x8;
	v11 =	vld.idx.msk [tilespmem:v11+s3+$0x0], $0xffff  }
0x48: {  	v13 =	vadd.s32 v0, v13;
	v6 =	vsel vm0, v6, v12;
	v12 =	vbroadcast v10, $0x8  }
0x49: {  	s31 =	simm.s32 $0x30;
	v5 =	vld.idx.msk [tilespmem:v5+s3+$0x0], $0xffff  }
0x4a: {  	v6 =	vadd.s32 v0, v6;
	[tilespmem:s18+$0xFFFFFFE0] =	vst v7;
	v12 =	vsel vm0, v12, v14;
	v14 =	vld [tilespmem:s31+$0x4080]  }
0x4b: {  	v16 =	vbroadcast v1, $0x5;
	v7 =	vld.idx.msk [tilespmem:v8+s3+$0x0], $0xffff;
	v8 =	vbroadcast v2, $0x5  }
0x4c: {  	v15 =	vld [tilespmem:s31+$0x3E80];
	v12 =	vadd.s32 v0, v12;
	[tilespmem:s19+$0xFFFFFFB0] =	vst v11  }
0x4d: {  	s20 =	simm.s32 $0x4500;
	v17 =	vbroadcast v4, $0x2;
	v11 =	vbroadcast v3, $0x2;
	v8 =	vsel vm0, v8, v16;
	v13 =	vld.idx.msk [tilespmem:v13+s3+$0x0], $0xffff  }
0x4e: {  	[tilespmem:s20+$0xFFFFFF80] =	vst v5;
	v8 =	vadd.s32 v0, v8  }
0x4f: {  	v16 =	vld.idx.msk [tilespmem:v6+s3+$0x0], $0xffff;
	v5 =	vsel vm0, v11, v17;
	v6 =	vbroadcast v10, $0x9;
	v11 =	vbroadcast v9, $0x9  }
0x50: {  	v17 =	vadd.s32 v0, v5;
	[tilespmem:s18+$0xFFFFFFF0] =	vst v7;
	v7 =	vshll.u32 v14, $0x3  }
0x51: {  	v14 =	vbroadcast v2, $0x6;
	v6 =	vsel vm0, v6, v11;
	v11 =	vbroadcast v1, $0x6;
	v12 =	vld.idx.msk [tilespmem:v12+s3+$0x0], $0xffff  }
0x52: {  	v19 =	vbroadcast v4, $0x3;
	v5 =	vshll.u32 v15, $0x3;
	v15 =	vadd.s32 v0, v6;
	[tilespmem:s19+$0xFFFFFFC0] =	vst v13  }
0x53: {  	v6 =	vadd.s32 $0x1F38, v7;
	v13 =	vbroadcast v3, $0x3;
	v7 =	vld.idx.msk [tilespmem:v8+s3+$0x0], $0xffff;
	v8 =	vsel vm0, v14, v11  }
0x54: {  	[tilespmem:s20+$0xFFFFFF90] =	vst v16;
	v11 =	vbroadcast v5, $0x0;
	v14 =	vbroadcast v6, $0x0;
	v8 =	vadd.s32 v0, v8  }
0x55: {  	v18 =	vbroadcast v10, $0xA;
	v16 =	vld.idx.msk [tilespmem:v17+s3+$0x0], $0xffff;
	v13 =	vsel vm0, v13, v19;
	v17 =	vbroadcast v9, $0xA  }
0x56: {  	v13 =	vadd.s32 v0, v13;
	v11 =	vsel vm0, v11, v14;
	[tilespmem:s18+$0x0] =	vst v12;
	v12 =	vbroadcast v2, $0x7  }
0x57: {  	v11 =	vadd.s32 v0, v11;
	v17 =	vsel vm0, v18, v17;
	v14 =	vld.idx.msk [tilespmem:v15+s3+$0x0], $0xffff;
	v15 =	vbroadcast v1, $0x7  }
0x58: {  	v20 =	vbroadcast v3, $0x5;
	v21 =	vbroadcast v4, $0x5;
	v17 =	vadd.s32 v0, v17;
	[tilespmem:s19+$0xFFFFFFD0] =	vst v7  }
0x59: {  	v18 =	vbroadcast v4, $0x4;
	v7 =	vbroadcast v3, $0x4;
	v12 =	vsel vm0, v12, v15;
	v8 =	vld.idx.msk [tilespmem:v8+s3+$0x0], $0xffff  }
0x5a: {  	[tilespmem:s20+$0xFFFFFFA0] =	vst v16;
	v15 =	vbroadcast v5, $0x1;
	v16 =	vbroadcast v6, $0x1;
	v12 =	vadd.s32 v0, v12  }
0x5b: {  	v19 =	vbroadcast v10, $0xB;
	v13 =	vld.idx.msk [tilespmem:v13+s3+$0x0], $0xffff;
	v7 =	vsel vm0, v7, v18;
	v18 =	vbroadcast v9, $0xB  }
0x5c: {  	v11 =	vld.idx.msk [tilespmem:v11+s3+$0x0], $0xffff;
	v7 =	vadd.s32 v0, v7;
	[tilespmem:s18+$0x10] =	vst v14;
	v14 =	vsel vm0, v15, v16;
	v15 =	vbroadcast v2, $0x8  }
0x5d: {  	s21 =	simm.s32 $0x40;
	v18 =	vsel vm0, v19, v18;
	v16 =	vld.idx.msk [tilespmem:v17+s3+$0x0], $0xffff;
	v17 =	vbroadcast v1, $0x8;
	v14 =	vadd.s32 v0, v14  }
0x5e: {  	v20 =	vsel vm0, v20, v21;
	v19 =	vld [tilespmem:s21+$0x3E80];
	v18 =	vadd.s32 v0, v18;
	[tilespmem:s19+$0xFFFFFFE0] =	vst v8  }
0x5f: {  	v21 =	vbroadcast v9, $0xC;
	v22 =	vbroadcast v6, $0x2;
	v15 =	vsel vm0, v15, v17;
	v12 =	vld.idx.msk [tilespmem:v12+s3+$0x0], $0xffff  }
0x60: {  	v8 =	vld [tilespmem:s21+$0x4080];
	s21 =	simm.s32 $0x4600;
	v17 =	vbroadcast v5, $0x2;
	[tilespmem:s20+$0xFFFFFFB0] =	vst v13;
	v13 =	vbroadcast v10, $0xC;
	v15 =	vadd.s32 v0, v15  }
0x61: {  	v26 =	vbroadcast v10, $0xF;
	v23 =	vld.idx.msk [tilespmem:v7+s3+$0x0], $0xffff;
	[tilespmem:s21+$0xFFFFFF80] =	vst v11;
	v11 =	vadd.s32 v0, v20;
	v20 =	vbroadcast v1, $0x9  }
0x62: {  	v7 =	vsel vm0, v17, v22;
	v17 =	vbroadcast v2, $0x9;
	v13 =	vsel vm0, v13, v21;
	v14 =	vld.idx.msk [tilespmem:v14+s3+$0x0], $0xffff;
	[tilespmem:s18+$0x20] =	vst v16  }
0x63: {  	v21 =	vbroadcast v10, $0xD;
	v22 =	vbroadcast v5, $0x3;
	v16 =	vadd.s32 v0, v7;
	v18 =	vld.idx.msk [tilespmem:v18+s3+$0x0], $0xffff  }
0x64: {  	v7 =	vshll.u32 v19, $0x3;
	v13 =	vadd.s32 v0, v13;
	v19 =	vbroadcast v4, $0x6;
	[tilespmem:s19+$0xFFFFFFF0] =	vst v12  }
0x65: {  	v8 =	vshll.u32 v8, $0x3;
	v17 =	vsel vm0, v17, v20;
	v12 =	vbroadcast v3, $0x6;
	v15 =	vld.idx.msk [tilespmem:v15+s3+$0x0], $0xffff  }
0x66: {  	v17 =	vadd.s32 v0, v17;
	v8 =	vadd.s32 $0x1F38, v8;
	[tilespmem:s20+$0xFFFFFFC0] =	vst v23;
	v23 =	vbroadcast v6, $0x3  }
0x67: {  	v12 =	vsel vm0, v12, v19;
	v11 =	vld.idx.msk [tilespmem:v11+s3+$0x0], $0xffff;
	v19 =	vbroadcast v8, $0x0;
	[tilespmem:s21+$0xFFFFFF90] =	vst v14;
	v14 =	vbroadcast v9, $0xD  }
0x68: {  	v12 =	vadd.s32 v0, v12;
	v22 =	vsel vm0, v22, v23;
	v16 =	vld.idx.msk [tilespmem:v16+s3+$0x0], $0xffff;
	[tilespmem:s18+$0x30] =	vst v18;
	v18 =	vbroadcast v7, $0x0  }
0x69: {  	v20 =	vbroadcast v2, $0xA;
	v22 =	vadd.s32 v0, v22;
	v13 =	vld.idx.msk [tilespmem:v13+s3+$0x0], $0xffff;
	v14 =	vsel vm0, v21, v14  }
0x6a: {  	v23 =	vbroadcast v1, $0xA;
	[tilespmem:s19+$0x0] =	vst v15;
	v15 =	vsel vm0, v18, v19;
	v14 =	vadd.s32 v0, v14  }
0x6b: {  	v24 =	vbroadcast v8, $0x1;
	v21 =	vbroadcast v6, $0x4;
	v15 =	vadd.s32 v0, v15  }
0x6c: {  	v20 =	vsel vm0, v20, v23;
	v18 =	vbroadcast v3, $0x7;
	v19 =	vbroadcast v4, $0x7;
	v17 =	vld.idx.msk [tilespmem:v17+s3+$0x0], $0xffff;
	[tilespmem:s20+$0xFFFFFFD0] =	vst v11  }
0x6d: {  	v23 =	vbroadcast v7, $0x1;
	v11 =	vadd.s32 v0, v20;
	v12 =	vld.idx.msk [tilespmem:v12+s3+$0x0], $0xffff;
	[tilespmem:s21+$0xFFFFFFA0] =	vst v16;
	v16 =	vbroadcast v5, $0x4  }
0x6e: {  	v20 =	vbroadcast v10, $0xE;
	v18 =	vsel vm0, v18, v19;
	v19 =	vld.idx.msk [tilespmem:v22+s3+$0x0], $0xffff;
	[tilespmem:s18+$0x40] =	vst v13;
	v13 =	vbroadcast v9, $0xE  }
0x6f: {  	v18 =	vadd.s32 v0, v18;
	v22 =	vbroadcast v2, $0xB;
	v16 =	vsel vm0, v16, v21;
	v21 =	vld.idx.msk [tilespmem:v14+s3+$0x0], $0xffff  }
0x70: {  	s22 =	simm.s32 $0x50;
	v14 =	vbroadcast v1, $0xB;
	v25 =	vld.idx.msk [tilespmem:v15+s3+$0x0], $0xffff;
	v15 =	vadd.s32 v0, v16;
	v13 =	vsel vm0, v20, v13  }
0x71: {  	v10 =	vld [tilespmem:s22+$0x4080];
	[tilespmem:s19+$0x10] =	vst v17;
	v16 =	vsel vm0, v23, v24;
	v17 =	vbroadcast v3, $0x8;
	v20 =	vadd.s32 v0, v13  }
0x72: {  	v23 =	vld.idx.msk [tilespmem:v11+s3+$0x0], $0xffff;
	v24 =	vadd.s32 v0, v16;
	[tilespmem:s20+$0xFFFFFFE0] =	vst v12;
	v12 =	vbroadcast v4, $0x8;
	v13 =	vsel vm0, v22, v14  }
0x73: {  	v11 =	vld [tilespmem:s22+$0x3E80];
	v13 =	vadd.s32 v0, v13  }
0x74: {  	v27 =	vbroadcast v6, $0x5;
	v14 =	vld.idx.msk [tilespmem:v18+s3+$0x0], $0xffff;
	[tilespmem:s21+$0xFFFFFFB0] =	vst v19;
	v19 =	vbroadcast v5, $0x5;
	v12 =	vsel vm0, v17, v12  }
0x75: {  	s22 =	simm.s32 $0x4700;
	v16 =	vbroadcast v2, $0xC;
	[tilespmem:s18+$0x50] =	vst v21;
	v18 =	vld.idx.msk [tilespmem:v15+s3+$0x0], $0xffff;
	v15 =	vadd.s32 v0, v12;
	v12 =	vbroadcast v9, $0xF  }
0x76: {  	v22 =	vbroadcast v8, $0x2;
	v21 =	vbroadcast v7, $0x2;
	[tilespmem:s22+$0xFFFFFF80] =	vst v25;
	v17 =	vsel vm0, v19, v27;
	v9 =	vld.idx.msk [tilespmem:v20+s3+$0x0], $0xffff  }
0x77: {  	s23 =	simm.s32 $0x180;
	v20 =	vld.idx.msk [tilespmem:v24+s3+$0x0], $0xffff;
	v19 =	vadd.s32 v0, v17;
	[tilespmem:s19+$0x20] =	vst v23;
	v17 =	vbroadcast v1, $0xC;
	v12 =	vsel vm0, v26, v12  }
.LBB2_2:
0x78: {  	p0 =	sne.s32 s23, $0x7C0;
	v21 =	vsel vm0, v21, v22;
	v22 =	vbroadcast v3, $0x9;
	v13 =	vld.idx.msk [tilespmem:v13+s3+$0x0], $0xffff;
	v12 =	vadd.s32 v0, v12;
	v23 =	vmovc v6  }
0x79: {  	v6 =	vmovc v8;
	v21 =	vadd.s32 v0, v21;
	[tilespmem:s20+$0xFFFFFFF0] =	vst v14;
	v14 =	vbroadcast v4, $0x9;
	v16 =	vsel vm0, v16, v17  }
0x7a: {  	v17 =	vshll.u32 v11, $0x3;
	v8 =	vshll.u32 v10, $0x3;
	v10 =	vld.idx.msk [tilespmem:v15+s3+$0x0], $0xffff;
	v11 =	vadd.s32 v0, v16  }
0x7b: {  	v15 =	vbroadcast v5, $0x6;
	v16 =	vbroadcast v23, $0x6;
	[tilespmem:s21+$0xFFFFFFC0] =	vst v18;
	v14 =	vsel vm0, v22, v14  }
0x7c: {  	v22 =	vbroadcast v2, $0xD;
	v18 =	vld.idx.msk [tilespmem:v19+s3+$0x0], $0xffff;
	v14 =	vadd.s32 v0, v14;
	v19 =	vbroadcast v3, $0xA;
	[tilespmem:s18+$0x60] =	vst v9  }
0x7d: {  	v9 =	vbroadcast v7, $0x3;
	v15 =	vsel vm0, v15, v16;
	[tilespmem:s22+$0xFFFFFF90] =	vst v20;
	v20 =	vbroadcast v6, $0x3;
	v12 =	vld.idx.msk [tilespmem:v12+s3+$0x0], $0xffff  }
0x7e: {  	v8 =	vadd.s32 $0x1F38, v8;
	v15 =	vadd.s32 v0, v15;
	v16 =	vld.idx.msk [tilespmem:v21+s3+$0x0], $0xffff;
	[tilespmem:s19+$0x30] =	vst v13;
	v13 =	vbroadcast v1, $0xD  }
0x7f: {  	v24 =	vbroadcast v8, $0x0;
	v21 =	vbroadcast v17, $0x0;
	v9 =	vsel vm0, v9, v20;
	v11 =	vld.idx.msk [tilespmem:v11+s3+$0x0], $0xffff  }
0x80: {  	v9 =	vadd.s32 v0, v9;
	[tilespmem:s20+$0x0] =	vst v10;
	v10 =	vbroadcast v4, $0xA;
	v13 =	vsel vm0, v22, v13  }
0x81: {  	v20 =	vsel vm0, v21, v24;
	v21 =	vbroadcast v5, $0x7;
	v14 =	vld.idx.msk [tilespmem:v14+s3+$0x0], $0xffff;
	v13 =	vadd.s32 v0, v13  }
0x82: {  	v20 =	vadd.s32 v0, v20;
	[tilespmem:s21+$0xFFFFFFD0] =	vst v18;
	v18 =	vbroadcast v23, $0x7;
	v10 =	vsel vm0, v19, v10  }
0x83: {  	v19 =	vbroadcast v2, $0xE;
	v15 =	vld.idx.msk [tilespmem:v15+s3+$0x0], $0xffff;
	v10 =	vadd.s32 v0, v10;
	[tilespmem:s18+$0x70] =	vst v12;
	s18 =	smov.u32 s19;
	s19 =	smov.u32 s20;
	s20 =	smov.u32 s21  }
0x84: {  	v12 =	vbroadcast v7, $0x4;
	s21 =	smov.u32 s22;
	[tilespmem:s22+$0xFFFFFFA0] =	vst v16;
	v16 =	vbroadcast v6, $0x4;
	v18 =	vsel vm0, v21, v18  }
0x85: {  	v21 =	vbroadcast v3, $0xB;
	v9 =	vld.idx.msk [tilespmem:v9+s3+$0x0], $0xffff;
	v18 =	vadd.s32 v0, v18;
	[tilespmem:s18+$0x40] =	vst v11;
	v11 =	vbroadcast v1, $0xE  }
0x86: {  	v22 =	vbroadcast v17, $0x1;
	v24 =	vbroadcast v8, $0x1;
	v12 =	vsel vm0, v12, v16;
	v25 =	vld.idx.msk [tilespmem:v13+s3+$0x0], $0xffff  }
0x87: {  	v13 =	vbroadcast v4, $0xB;
	v20 =	vld.idx.msk [tilespmem:v20+s3+$0x0], $0xffff;
	v12 =	vadd.s32 v0, v12;
	[tilespmem:s19+$0x10] =	vst v14;
	v11 =	vsel vm0, v19, v11  }
0x88: {  	s24 =	sshra.s32 s23, $0x2;
	v16 =	vbroadcast v5, $0x8;
	v14 =	vsel vm0, v22, v24;
	v24 =	vld.idx.msk [tilespmem:v10+s3+$0x0], $0xffff;
	v19 =	vadd.s32 v0, v11  }
0x89: {  	v26 =	vadd.s32 v0, v14;
	v10 =	vsel vm0, v21, v13;
	v11 =	vld [tilespmem:s24+$0x3E80];
	[tilespmem:s20+$0xFFFFFFE0] =	vst v15;
	v15 =	vbroadcast v23, $0x8  }
.Ltmp0:
0x8a: {  	v27 =	vbroadcast v2, $0xF;
	v2 =	vmovc v3;
	v3 =	vmovc v5;
	v5 =	vmov v7;
	v13 =	vadd.s32 v0, v10;
	v14 =	vld.idx.msk [tilespmem:v18+s3+$0x0], $0xffff;
	(pc) =	sbr.rel @p0 .LBB2_2-.Ltmp0, $4  }
0x8b: {  	v28 =	vbroadcast v6, $0x5;
	v7 =	vmovc v17;
	v10 =	vld [tilespmem:s24+$0x4080];
	[tilespmem:s22+$0xFFFFFFB0] =	vst v9;
	v9 =	vbroadcast v5, $0x5;
	v15 =	vsel vm0, v16, v15  }
0x8c: {  	s22 =	sadd.s32 $0x100, s22;
	v16 =	vbroadcast v2, $0xC;
	v18 =	vld.idx.msk [tilespmem:v12+s3+$0x0], $0xffff;
	v15 =	vadd.s32 v0, v15;
	[tilespmem:s18+$0x50] =	vst v25;
	v12 =	vbroadcast v1, $0xF;
	v1 =	vmovc v4  }
0x8d: {  	v22 =	vbroadcast v8, $0x2;
	v21 =	vbroadcast v7, $0x2;
	v4 =	vmovc v23;
	[tilespmem:s22+$0xFFFFFF80] =	vst v20;
	v17 =	vsel vm0, v9, v28;
	v9 =	vld.idx.msk [tilespmem:v19+s3+$0x0], $0xffff  }
0x8e: {  	s23 =	sadd.s32 $0x40, s23;
	v20 =	vld.idx.msk [tilespmem:v26+s3+$0x0], $0xffff;
	v19 =	vadd.s32 v0, v17;
	[tilespmem:s19+$0x20] =	vst v24;
	v17 =	vbroadcast v1, $0xC;
	v12 =	vsel vm0, v27, v12  }
0x8f: {  	_ = 	snop  }
0x90: {  	v23 =	vshll.u32 v10, $0x3  }
0x91: {  	v10 =	vshll.u32 v11, $0x3;
	v11 =	vadd.s32 $0x1F38, v23  }
0x92: {  	v52 =	vbroadcast v10, $0x0;
	v24 =	vbroadcast v11, $0x0;
	_ =	sdelay $0x1  }
0x93: {  	v23 =	vsel vm0, v52, v24  }
0x94: {  	v23 =	vadd.s32 v0, v23;
	_ =	sdelay $0x2  }
0x95: {  	v53 =	vbroadcast v10, $0x1;
	v25 =	vbroadcast v11, $0x1;
	_ =	sdelay $0x1  }
0x96: {  	v24 =	vsel vm0, v53, v25;
	v23 =	vld.idx.msk [tilespmem:v23+s3+$0x0], $0xffff  }
0x97: {  	v24 =	vadd.s32 v0, v24;
	_ =	sdelay $0x2  }
0x98: {  	s23 =	sadd.s32 $0x100, s22;
	v54 =	vbroadcast v10, $0x2;
	v26 =	vbroadcast v11, $0x2  }
0x99: {  	v21 =	vsel vm0, v21, v22;
	[tilespmem:s23+$0xFFFFFF80] =	vst v23  }
0x9a: {  	v21 =	vadd.s32 v0, v21;
	v56 =	vsel vm0, v54, v26;
	v55 =	vld.idx.msk [tilespmem:v24+s3+$0x0], $0xffff  }
0x9b: {  	v23 =	vadd.s32 v0, v56;
	_ =	sdelay $0x1  }
0x9c: {  	v57 =	vbroadcast v7, $0x3;
	v58 =	vbroadcast v8, $0x3  }
0x9d: {  	v59 =	vbroadcast v10, $0x3;
	v60 =	vbroadcast v11, $0x3;
	[tilespmem:s22+$0xFFFFFF90] =	vst v20  }
0x9e: {  	v21 =	vld.idx.msk [tilespmem:v21+s3+$0x0], $0xffff;
	v24 =	vsel vm0, v57, v58;
	[tilespmem:s23+$0xFFFFFF90] =	vst v55  }
0x9f: {  	v20 =	vsel vm0, v59, v60;
	v61 =	vadd.s32 v0, v24;
	v23 =	vld.idx.msk [tilespmem:v23+s3+$0x0], $0xffff  }
0xa0: {  	v20 =	vadd.s32 v0, v20;
	_ =	sdelay $0x1  }
0xa1: {  	v62 =	vbroadcast v7, $0x4;
	v63 =	vbroadcast v8, $0x4  }
0xa2: {  	v28 =	vbroadcast v10, $0x4;
	v29 =	vbroadcast v11, $0x4;
	[tilespmem:s22+$0xFFFFFFA0] =	vst v21  }
0xa3: {  	v24 =	vsel vm0, v62, v63;
	v22 =	vld.idx.msk [tilespmem:v61+s3+$0x0], $0xffff;
	[tilespmem:s23+$0xFFFFFFA0] =	vst v23  }
0xa4: {  	v21 =	vsel vm0, v28, v29;
	v30 =	vadd.s32 v0, v24;
	v20 =	vld.idx.msk [tilespmem:v20+s3+$0x0], $0xffff  }
0xa5: {  	v21 =	vadd.s32 v0, v21;
	_ =	sdelay $0x1  }
0xa6: {  	v31 =	vbroadcast v7, $0x5;
	v32 =	vbroadcast v8, $0x5  }
0xa7: {  	v33 =	vbroadcast v10, $0x5;
	v34 =	vbroadcast v11, $0x5;
	[tilespmem:s22+$0xFFFFFFB0] =	vst v22  }
0xa8: {  	v24 =	vsel vm0, v31, v32;
	v23 =	vld.idx.msk [tilespmem:v30+s3+$0x0], $0xffff;
	[tilespmem:s23+$0xFFFFFFB0] =	vst v20  }
0xa9: {  	v35 =	vadd.s32 v0, v24;
	v22 =	vsel vm0, v33, v34;
	v21 =	vld.idx.msk [tilespmem:v21+s3+$0x0], $0xffff  }
0xaa: {  	v22 =	vadd.s32 v0, v22  }
0xab: {  	v36 =	vbroadcast v5, $0x6;
	v37 =	vbroadcast v6, $0x6  }
0xac: {  	v38 =	vbroadcast v7, $0x6;
	v39 =	vbroadcast v8, $0x6;
	[tilespmem:s21+$0xFFFFFFC0] =	vst v18  }
0xad: {  	v40 =	vbroadcast v10, $0x6;
	v19 =	vld.idx.msk [tilespmem:v19+s3+$0x0], $0xffff;
	v41 =	vbroadcast v11, $0x6;
	v24 =	vsel vm0, v36, v37;
	[tilespmem:s22+$0xFFFFFFC0] =	vst v23  }
0xae: {  	v18 =	vsel vm0, v38, v39;
	v24 =	vadd.s32 v0, v24;
	v20 =	vld.idx.msk [tilespmem:v35+s3+$0x0], $0xffff;
	[tilespmem:s23+$0xFFFFFFC0] =	vst v21  }
0xaf: {  	v18 =	vadd.s32 v0, v18;
	v42 =	vsel vm0, v40, v41;
	v21 =	vld.idx.msk [tilespmem:v22+s3+$0x0], $0xffff  }
0xb0: {  	v22 =	vadd.s32 v0, v42  }
0xb1: {  	v43 =	vbroadcast v5, $0x7;
	v44 =	vbroadcast v6, $0x7  }
0xb2: {  	v45 =	vbroadcast v7, $0x7;
	v46 =	vbroadcast v8, $0x7;
	[tilespmem:s21+$0xFFFFFFD0] =	vst v19  }
0xb3: {  	v47 =	vbroadcast v10, $0x7;
	v48 =	vbroadcast v11, $0x7;
	v24 =	vld.idx.msk [tilespmem:v24+s3+$0x0], $0xffff;
	v23 =	vsel vm0, v43, v44;
	[tilespmem:s22+$0xFFFFFFD0] =	vst v20  }
0xb4: {  	v19 =	vsel vm0, v45, v46;
	v23 =	vadd.s32 v0, v23;
	v18 =	vld.idx.msk [tilespmem:v18+s3+$0x0], $0xffff;
	[tilespmem:s23+$0xFFFFFFD0] =	vst v21  }
0xb5: {  	v49 =	vbroadcast v3, $0x9;
	v19 =	vadd.s32 v0, v19;
	v20 =	vsel vm0, v47, v48;
	v21 =	vld.idx.msk [tilespmem:v22+s3+$0x0], $0xffff  }
0xb6: {  	v50 =	vbroadcast v5, $0x8;
	v51 =	vbroadcast v6, $0x8;
	v20 =	vadd.s32 v0, v20  }
0xb7: {  	v27 =	vbroadcast v8, $0x8;
	v38 =	vbroadcast v7, $0xA  }
0xb8: {  	v16 =	vsel vm0, v16, v17;
	v39 =	vbroadcast v8, $0xA;
	v52 =	vbroadcast v7, $0x8;
	[tilespmem:s21+$0xFFFFFFE0] =	vst v24  }
0xb9: {  	v25 =	vsel vm0, v50, v51;
	v53 =	vbroadcast v10, $0x8;
	v54 =	vbroadcast v11, $0x8;
	v23 =	vld.idx.msk [tilespmem:v23+s3+$0x0], $0xffff;
	[tilespmem:s22+$0xFFFFFFE0] =	vst v18  }
0xba: {  	v59 =	vbroadcast v5, $0x9;
	v25 =	vadd.s32 v0, v25;
	v24 =	vsel vm0, v52, v27;
	v19 =	vld.idx.msk [tilespmem:v19+s3+$0x0], $0xffff;
	[tilespmem:s23+$0xFFFFFFE0] =	vst v21  }
0xbb: {  	v28 =	vbroadcast v4, $0x9;
	v55 =	vadd.s32 v0, v24;
	v18 =	vsel vm0, v53, v54;
	v20 =	vld.idx.msk [tilespmem:v20+s3+$0x0], $0xffff  }
0xbc: {  	v60 =	vbroadcast v6, $0x9;
	v40 =	vbroadcast v10, $0xA;
	v18 =	vadd.s32 v0, v18  }
0xbd: {  	[tilespmem:s20+$0xFFFFFFF0] =	vst v14;
	v41 =	vbroadcast v11, $0xA;
	v50 =	vbroadcast v8, $0xB;
	v58 =	vsel vm0, v49, v28  }
0xbe: {  	v15 =	vld.idx.msk [tilespmem:v15+s3+$0x0], $0xffff;
	v14 =	vadd.s32 v0, v58;
	v62 =	vbroadcast v8, $0x9;
	v61 =	vbroadcast v7, $0x9;
	[tilespmem:s21+$0xFFFFFFF0] =	vst v23  }
0xbf: {  	v63 =	vbroadcast v10, $0x9;
	v32 =	vbroadcast v11, $0x9;
	v25 =	vld.idx.msk [tilespmem:v25+s3+$0x0], $0xffff;
	v22 =	vsel vm0, v59, v60;
	[tilespmem:s22+$0xFFFFFFF0] =	vst v19  }
0xc0: {  	v51 =	vbroadcast v10, $0xB;
	v23 =	vsel vm0, v61, v62;
	v22 =	vadd.s32 v0, v22;
	v17 =	vld.idx.msk [tilespmem:v55+s3+$0x0], $0xffff;
	[tilespmem:s23+$0xFFFFFFF0] =	vst v20  }
0xc1: {  	v45 =	vbroadcast v1, $0xE;
	v23 =	vadd.s32 v0, v23;
	v19 =	vsel vm0, v63, v32;
	v18 =	vld.idx.msk [tilespmem:v18+s3+$0x0], $0xffff  }
0xc2: {  	v56 =	vbroadcast v3, $0xA;
	v34 =	vbroadcast v4, $0xA;
	v19 =	vadd.s32 v0, v19  }
0xc3: {  	[tilespmem:s20+$0x0] =	vst v15;
	v36 =	vbroadcast v5, $0xA;
	v37 =	vbroadcast v6, $0xA  }
0xc4: {  	v29 =	vbroadcast v3, $0xC;
	v57 =	vbroadcast v2, $0xD;
	v14 =	vld.idx.msk [tilespmem:v14+s3+$0x0], $0xffff;
	v35 =	vsel vm0, v56, v34;
	[tilespmem:s21+$0x0] =	vst v25  }
0xc5: {  	v49 =	vbroadcast v7, $0xB;
	v15 =	vadd.s32 v0, v35;
	v22 =	vld.idx.msk [tilespmem:v22+s3+$0x0], $0xffff;
	v20 =	vsel vm0, v36, v37;
	[tilespmem:s22+$0x0] =	vst v17  }
0xc6: {  	v58 =	vbroadcast v8, $0xC;
	v25 =	vsel vm0, v38, v39;
	v20 =	vadd.s32 v0, v20;
	v23 =	vld.idx.msk [tilespmem:v23+s3+$0x0], $0xffff;
	[tilespmem:s23+$0x0] =	vst v18  }
0xc7: {  	v33 =	vbroadcast v1, $0xD;
	v25 =	vadd.s32 v0, v25;
	v17 =	vsel vm0, v40, v41;
	v19 =	vld.idx.msk [tilespmem:v19+s3+$0x0], $0xffff  }
0xc8: {  	v43 =	vbroadcast v4, $0xB;
	v42 =	vbroadcast v3, $0xB;
	v17 =	vadd.s32 v0, v17  }
0xc9: {  	v12 =	vadd.s32 v0, v12;
	[tilespmem:s20+$0x10] =	vst v14;
	v47 =	vbroadcast v5, $0xB;
	v48 =	vbroadcast v6, $0xB  }
0xca: {  	v1 =	vbroadcast v1, $0xF;
	v24 =	vsel vm0, v57, v33;
	v15 =	vld.idx.msk [tilespmem:v15+s3+$0x0], $0xffff;
	v46 =	vsel vm0, v42, v43;
	[tilespmem:s21+$0x10] =	vst v22  }
0xcb: {  	v52 =	vbroadcast v11, $0xB;
	v14 =	vadd.s32 v0, v46;
	v20 =	vld.idx.msk [tilespmem:v20+s3+$0x0], $0xffff;
	v18 =	vsel vm0, v47, v48;
	[tilespmem:s22+$0x10] =	vst v23  }
0xcc: {  	v57 =	vbroadcast v7, $0xC;
	v22 =	vsel vm0, v49, v50;
	v18 =	vadd.s32 v0, v18;
	v25 =	vld.idx.msk [tilespmem:v25+s3+$0x0], $0xffff;
	[tilespmem:s23+$0x10] =	vst v19  }
0xcd: {  	v44 =	vbroadcast v2, $0xE;
	v22 =	vadd.s32 v0, v22;
	v23 =	vsel vm0, v51, v52;
	v17 =	vld.idx.msk [tilespmem:v17+s3+$0x0], $0xffff  }
0xce: {  	v13 =	vld.idx.msk [tilespmem:v13+s3+$0x0], $0xffff;
	v2 =	vbroadcast v2, $0xF;
	v53 =	vbroadcast v4, $0xC;
	v23 =	vadd.s32 v0, v23  }
0xcf: {  	v16 =	vadd.s32 v0, v16;
	v54 =	vbroadcast v5, $0xC;
	[tilespmem:s20+$0x20] =	vst v15;
	v55 =	vbroadcast v6, $0xC  }
0xd0: {  	v33 =	vsel vm0, v44, v45;
	v61 =	vbroadcast v11, $0xC;
	v56 =	vsel vm0, v29, v53;
	v14 =	vld.idx.msk [tilespmem:v14+s3+$0x0], $0xffff;
	[tilespmem:s21+$0x20] =	vst v20  }
0xd1: {  	v60 =	vbroadcast v10, $0xC;
	v15 =	vadd.s32 v0, v56;
	v27 =	vsel vm0, v54, v55;
	v18 =	vld.idx.msk [tilespmem:v18+s3+$0x0], $0xffff;
	[tilespmem:s22+$0x20] =	vst v25  }
0xd2: {  	v63 =	vbroadcast v5, $0xD;
	v27 =	vadd.s32 v0, v27;
	v19 =	vsel vm0, v57, v58;
	v22 =	vld.idx.msk [tilespmem:v22+s3+$0x0], $0xffff;
	[tilespmem:s23+$0x20] =	vst v17  }
0xd3: {  	[tilespmem:s19+$0x30] =	vst v13;
	v32 =	vbroadcast v6, $0xD;
	v25 =	vsel vm0, v60, v61;
	v19 =	vadd.s32 v0, v19;
	v23 =	vld.idx.msk [tilespmem:v23+s3+$0x0], $0xffff  }
0xd4: {  	v16 =	vld.idx.msk [tilespmem:v16+s3+$0x0], $0xffff;
	v62 =	vbroadcast v4, $0xD;
	v59 =	vbroadcast v3, $0xD;
	v34 =	vadd.s32 v0, v25  }
0xd5: {  	v1 =	vsel vm0, v2, v1;
	v38 =	vadd.s32 v0, v24;
	[tilespmem:s20+$0x30] =	vst v14;
	v35 =	vsel vm0, v63, v32  }
0xd6: {  	v15 =	vld.idx.msk [tilespmem:v15+s3+$0x0], $0xffff;
	v36 =	vbroadcast v7, $0xD;
	v37 =	vbroadcast v8, $0xD;
	v20 =	vsel vm0, v59, v62;
	[tilespmem:s21+$0x30] =	vst v18  }
0xd7: {  	v40 =	vbroadcast v10, $0xD;
	v41 =	vbroadcast v11, $0xD;
	v20 =	vadd.s32 v0, v20;
	v39 =	vld.idx.msk [tilespmem:v27+s3+$0x0], $0xffff;
	[tilespmem:s22+$0x30] =	vst v22  }
0xd8: {  	v14 =	vadd.s32 v0, v35;
	v17 =	vsel vm0, v36, v37;
	v19 =	vld.idx.msk [tilespmem:v19+s3+$0x0], $0xffff;
	[tilespmem:s23+$0x30] =	vst v23  }
0xd9: {  	v45 =	vbroadcast v5, $0xE;
	v22 =	vsel vm0, v40, v41;
	v17 =	vadd.s32 v0, v17;
	v21 =	vld.idx.msk [tilespmem:v34+s3+$0x0], $0xffff  }
0xda: {  	[tilespmem:s19+$0x40] =	vst v16;
	v42 =	vbroadcast v3, $0xE;
	v43 =	vbroadcast v4, $0xE;
	v2 =	vadd.s32 v0, v22  }
0xdb: {  	v13 =	vadd.s32 v0, v33;
	v46 =	vbroadcast v6, $0xE;
	v16 =	vld.idx.msk [tilespmem:v38+s3+$0x0], $0xffff;
	v49 =	vbroadcast v10, $0xE;
	[tilespmem:s20+$0x40] =	vst v15  }
0xdc: {  	v44 =	vsel vm0, v42, v43;
	v47 =	vbroadcast v7, $0xE;
	v48 =	vbroadcast v8, $0xE;
	v20 =	vld.idx.msk [tilespmem:v20+s3+$0x0], $0xffff;
	[tilespmem:s21+$0x40] =	vst v39  }
0xdd: {  	v50 =	vbroadcast v11, $0xE;
	v15 =	vadd.s32 v0, v44;
	v18 =	vsel vm0, v45, v46;
	v14 =	vld.idx.msk [tilespmem:v14+s3+$0x0], $0xffff;
	[tilespmem:s22+$0x40] =	vst v19  }
0xde: {  	v54 =	vbroadcast v5, $0xF;
	v18 =	vadd.s32 v0, v18;
	v23 =	vsel vm0, v47, v48;
	v17 =	vld.idx.msk [tilespmem:v17+s3+$0x0], $0xffff;
	[tilespmem:s23+$0x40] =	vst v21  }
0xdf: {  	v55 =	vbroadcast v6, $0xF;
	v19 =	vsel vm0, v49, v50;
	v52 =	vadd.s32 v0, v23;
	v2 =	vld.idx.msk [tilespmem:v2+s3+$0x0], $0xffff  }
0xe0: {  	v3 =	vbroadcast v3, $0xF;
	[tilespmem:s19+$0x50] =	vst v16;
	v51 =	vbroadcast v4, $0xF;
	v53 =	vadd.s32 v0, v19  }
0xe1: {  	v1 =	vadd.s32 v0, v1;
	v13 =	vld.idx.msk [tilespmem:v13+s3+$0x0], $0xffff;
	v4 =	vsel vm0, v54, v55;
	[tilespmem:s20+$0x50] =	vst v20  }
0xe2: {  	v3 =	vsel vm0, v3, v51;
	v57 =	vbroadcast v7, $0xF;
	v58 =	vbroadcast v8, $0xF;
	v56 =	vld.idx.msk [tilespmem:v15+s3+$0x0], $0xffff;
	[tilespmem:s21+$0x50] =	vst v14  }
0xe3: {  	v3 =	vadd.s32 v0, v3;
	v59 =	vbroadcast v10, $0xF;
	v60 =	vbroadcast v11, $0xF;
	v14 =	vld.idx.msk [tilespmem:v18+s3+$0x0], $0xffff;
	[tilespmem:s22+$0x50] =	vst v17  }
0xe4: {  	v4 =	vadd.s32 v0, v4;
	v7 =	vsel vm0, v57, v58;
	v61 =	vld.idx.msk [tilespmem:v52+s3+$0x0], $0xffff;
	[tilespmem:s23+$0x50] =	vst v2  }
0xe5: {  	[tilespmem:s18+$0x60] =	vst v9;
	v5 =	vsel vm0, v59, v60;
	v2 =	vadd.s32 v0, v7;
	v62 =	vld.idx.msk [tilespmem:v53+s3+$0x0], $0xffff  }
0xe6: {  	v63 =	vld.idx.msk [tilespmem:v12+s3+$0x0], $0xffff;
	[tilespmem:s19+$0x60] =	vst v13;
	v5 =	vadd.s32 v0, v5  }
0xe7: {  	v1 =	vld.idx.msk [tilespmem:v1+s3+$0x0], $0xffff;
	[tilespmem:s20+$0x60] =	vst v56  }
0xe8: {  	v3 =	vld.idx.msk [tilespmem:v3+s3+$0x0], $0xffff;
	[tilespmem:s21+$0x60] =	vst v14  }
0xe9: {  	v4 =	vld.idx.msk [tilespmem:v4+s3+$0x0], $0xffff;
	[tilespmem:s22+$0x60] =	vst v61  }
0xea: {  	v2 =	vld.idx.msk [tilespmem:v2+s3+$0x0], $0xffff;
	[tilespmem:s23+$0x60] =	vst v62  }
0xeb: {  	[tilespmem:s18+$0x70] =	vst v63;
	v5 =	vld.idx.msk [tilespmem:v5+s3+$0x0], $0xffff  }
0xec: {  	[tilespmem:s19+$0x70] =	vst v1  }
0xed: {  	[tilespmem:s20+$0x70] =	vst v3  }
0xee: {  	s17 =	sadd.s32 $0x1, s17;
	[tilespmem:s21+$0x70] =	vst v4  }
0xef: {  	p0 =	sne.s32 s17, s7;
	[tilespmem:s22+$0x70] =	vst v2  }
.Ltmp1:
0xf0: {  	[tilespmem:s23+$0x70] =	vst v5;
	(pc) =	sbr.rel @p0 .LBB2_1-.Ltmp1, $4  }
0xf1: {  	[hbm4b:s6+s3] =	stream.linear.scatter [tilespmem:s15], [sflag:$0x4], $0x2000, $0x38;
	[tilespmem:$0x6280] =	vst v63  }
0xf2: {  	_ =	swait.ge [sflag:s16], $0x2000  }
0xf3: {  	[sflag:s16] =	ssyncset.done $0x0  }
0xf4: {  	[sflag:s16] =	ssyncadd.s32 $0xFFFFE000  }
0xf5: {  	_ =	sfence.sel $0x180000  }
0xf6: {  	[bflag:$0x0] =	sbarrier.arrive $0xFFFF  }
0xf7: {  	p0 =	sne.s32 s2, $0x0;
	_ =	strace $0x90000047  }
0xf8: {  	s0 =	sadd.s32 @!p0 $0x100000, s0;
	[bflag:$0x2] =	sbarrier.arrive $0xFFFF  }
0xf9: {  	[sflag:s0] =	ssyncadd.tile.s32 @!p0 $0x1;
	_ =	shalt  }
.Lfunc_end2:
_tile_overlayer_lowered:
.L_overlay_start_2:
0xfa: {  	(tag) =	ssettag $0x2  }
0xfb: {  	s0 =	rddreg [dreg:$0x0];
	s2 =	stileid.u32  }
0xfc: {  	s1 =	rddreg [dreg:$0x1];
	p0 =	sne.s32 s2, $0x0  }
0xfd: {  	s3 =	rddreg [dreg:$0x2];
	[bflag:$0x3] =	sbarrier.arrive $0xFFFF;
	s2 =	simm.s32 @!p0 $0x1C04  }
0xfe: {  	[timem:s3], [sflag:s2] =	dma.local @!p0 [hbm:s0], s1  }
0xff: {  	s0 =	simm.s32 @!p0 $0x4  }
0x100: {  	_ =	swait.ge @!p0 [sflag:s0], s1  }
0x101: {  	s1 =	ssub.s32 @!p0 $0x0, s1;
	[sflag:s0] =	ssyncset.done @!p0 $0x0  }
0x102: {  	[sflag:s0] =	ssyncadd.s32 @!p0 s1  }
0x103: {  	[bflag:$0x3] =	sbarrier.arrive $0xFFFF  }
0x104: {  	_ =	shalt  }

</sc_bundles>
